<compile_context>
chip_gen: v7x
topology: tpu7x:2x2x1
jax: 0.10.2.dev20260603
libtpu: 0.0.44.dev20260713+nightly
codegen_flags: <defaults>
</compile_context>

<pallas_src>
import functools

import jax
import jax.numpy as jnp
from jax import lax
from jax.experimental import pallas as pl
from jax.experimental.pallas import tpu as pltpu
from jax.experimental.pallas import tpu_sc as plsc

BT = 16384
D = 256
K = 8192
MT = 256
CK = 2048
NK = K // CK

NC = 2
NS = 16
NW = NC * NS
ROWS_W = BT // NW
CH = 128
NCH = ROWS_W // CH


PHASES = ((0, 2816), (2816, 5632), (5632, 8192))


def _assign_body(x_ref, xsq_ref, cb_ref, csq_ref, out_ref):
    x = x_ref[...]
    xsq = xsq_ref[...]
    x2_16 = (2.0 * x).astype(jnp.bfloat16)
    lane = lax.broadcasted_iota(jnp.int32, (MT, 128), 1)
    acc_v = None
    acc_i = None
    for (lo, hi) in PHASES:
        cb16 = cb_ref[lo:hi, :]
        cross2 = lax.dot_general(x2_16, cb16,
                                 (((1,), (1,)), ((), ())),
                                 preferred_element_type=jnp.float32)
        pv = None
        pj = jnp.zeros((MT, 128), dtype=jnp.int32)
        for j in range((hi - lo) // 128):
            csq_j = csq_ref[:, lo + j * 128:lo + (j + 1) * 128]
            s = jnp.maximum((xsq + csq_j) - cross2[:, j * 128:(j + 1) * 128], 0.0)
            dj = jnp.where(s == 0.0, 0.0, s * lax.rsqrt(s))
            if pv is None:
                pv = dj
            else:
                better = dj < pv
                pv = jnp.where(better, dj, pv)
                pj = jnp.where(better, j, pj)
        pk = lo + pj * 128 + lane
        lv = jnp.min(pv, axis=1, keepdims=True)
        li = jnp.min(jnp.where(pv == lv, pk, K), axis=1, keepdims=True)
        if acc_v is None:
            acc_v, acc_i = lv, li
        else:
            better = (lv < acc_v) | ((lv == acc_v) & (li < acc_i))
            acc_i = jnp.where(better, li, acc_i)
            acc_v = jnp.where(better, lv, acc_v)
        u = lax.bitcast_convert_type(acc_v, jnp.uint32)
        u = (u + jnp.uint32(0x7FFF) + ((u >> 16) & jnp.uint32(1))) & jnp.uint32(0xFFFF0000)
        acc_v = lax.bitcast_convert_type(u, jnp.float32)
    out_ref[...] = acc_i


def _assign(x, xsq, codebook16, csq):
    return pl.pallas_call(
        _assign_body,
        grid=(BT // MT,),
        in_specs=[
            pl.BlockSpec((MT, D), lambda m: (m, 0)),
            pl.BlockSpec((MT, 1), lambda m: (m, 0)),
            pl.BlockSpec((K, D), lambda m: (0, 0)),
            pl.BlockSpec((1, K), lambda m: (0, 0)),
        ],
        out_specs=pl.BlockSpec((MT, 1), lambda m: (m, 0)),
        out_shape=jax.ShapeDtypeStruct((BT, 1), jnp.int32),
    )(x, xsq, codebook16, csq)


def _gather_body(idx_hbm, cb_hbm, out_hbm, idx_v, buf0, buf1, s0, s1):
    wid = lax.axis_index("s") * NC + lax.axis_index("c")
    base = wid * ROWS_W
    pltpu.sync_copy(idx_hbm.at[wid], idx_v)
    bufs = (buf0, buf1)
    sems = (s0, s1)
    cp = pltpu.async_copy(cb_hbm.at[idx_v.at[0]], bufs[0], sems[0])
    for c in range(NCH):
        cp.wait()
        if c + 1 < NCH:
            cp = pltpu.async_copy(
                cb_hbm.at[idx_v.at[c + 1]], bufs[(c + 1) % 2], sems[(c + 1) % 2])
        pltpu.sync_copy(bufs[c % 2], out_hbm.at[pl.ds(base + c * CH, CH)])


def _gather(idx, codebook):
    mesh = plsc.VectorSubcoreMesh(core_axis_name="c", subcore_axis_name="s")
    f = pl.kernel(
        _gather_body,
        out_type=jax.ShapeDtypeStruct((BT, D), jnp.float32),
        mesh=mesh,
        scratch_types=[
            pltpu.VMEM((NCH, CH), jnp.int32),
            pltpu.VMEM((CH, D), jnp.float32),
            pltpu.VMEM((CH, D), jnp.float32),
            pltpu.SemaphoreType.DMA,
            pltpu.SemaphoreType.DMA,
        ],
    )
    return f(idx, codebook)


def kernel(inputs, codebook):
    b, t, d = inputs.shape
    x = inputs.reshape(b * t, d)
    csq = lax.optimization_barrier(
        jnp.sum(codebook * codebook, axis=-1))[None, :]
    xsq = lax.optimization_barrier(
        jnp.sum(x * x, axis=-1, keepdims=True))
    cb16 = codebook.astype(jnp.bfloat16)
    idx = _assign(x, xsq, cb16, csq)
    idx = idx.reshape(NW, NCH, CH)
    quant = _gather(idx, codebook)
    return quant.reshape(b, t, d)

# --- scband reference (transcript-rebuilt; emitter-appended) ---
"""Pipeline reference for scband-vector-quantizer-60284160967223 (READ-ONLY COPY).

The authoritative reference and input builder live on the scoring server;
editing this copy changes nothing except your own understanding.
"""

import jax, jax.numpy as jnp
import numpy as np

B, T, D = 16, 1024, 256
K = 8192

def setup_inputs(seed: int = 0) -> dict:
    key = jax.random.key(seed)
    k1, k2 = jax.random.split(key)
    inputs = jax.random.normal(k1, (B, T, D), dtype=jnp.float32)
    codebook = jax.random.normal(k2, (K, D), dtype=jnp.float32)
    return {"inputs": inputs, "codebook": codebook}

def _cdist(x, c):
    # x: [B, T, D], c: [K, D] -> [B, T, K] Euclidean distances (torch.cdist p=2)
    x_sq = jnp.sum(x * x, axis=-1, keepdims=True)          # [B, T, 1]
    c_sq = jnp.sum(c * c, axis=-1)                          # [K]
    cross = jnp.einsum('btd,kd->btk', x, c)                 # [B, T, K]
    sq = x_sq + c_sq[None, None, :] - 2.0 * cross
    return jnp.sqrt(jnp.maximum(sq, 0.0))

def reference(inputs, codebook):
    # eval-mode forward of VectorQuantizer
    l2_dist = _cdist(inputs, codebook)                      # [B, T, K]
    assignment = jnp.argmin(l2_dist, axis=-1)               # [B, T]
    quantized = jnp.take(codebook, assignment, axis=0)      # [B, T, D]
    # straight-through estimator: (quantized - inputs).detach() + inputs
    quantized = jax.lax.stop_gradient(quantized - inputs) + inputs
    return quantized

if __name__ == "__main__":
    import jax
    _d = setup_inputs()
    print(jax.jit(kernel)(*tuple(_d.values())))

</pallas_src>

<mosaic_0001>
#map = affine_map<(d0, d1) -> (0, 0, 0)>
#map1 = affine_map<(d0, d1) -> (0, 0)>
module attributes {stable_mosaic.version = 14 : i64} {
  func.func @_gather_body(%arg0: i32, %arg1: i32, %arg2: memref<32x4x128xi32, #tpu.memory_space<hbm>>, %arg3: memref<8192x256xf32, #tpu.memory_space<hbm>>, %arg4: memref<16384x256xf32, #tpu.memory_space<hbm>>, %arg5: memref<4x128xi32, #tpu.memory_space<vmem>>, %arg6: memref<128x256xf32, #tpu.memory_space<vmem>>, %arg7: memref<128x256xf32, #tpu.memory_space<vmem>>, %arg8: memref<!tpu.dma_semaphore, #tpu.memory_space<semaphore_mem>>, %arg9: memref<!tpu.dma_semaphore, #tpu.memory_space<semaphore_mem>>) attributes {dimension_semantics = [#tpu.dimension_semantics<core_parallel>, #tpu.dimension_semantics<subcore_parallel>], iteration_bounds = array<i64: 2, 16>, scalar_prefetch = 0 : i64, scratch_operands = 5 : i64, tpu.core_type = #tpu.core_type<sc_vector_subcore>, window_params = [{transform_indices = #map}, {transform_indices = #map1}, {transform_indices = #map1}]} {
    %mul3A = arith.constant 2 : i32
    %mul3A_0 = arith.muli %arg1, %mul3A : i32
    %add3A = arith.addi %mul3A_0, %arg0 : i32
    %mul3A_1 = arith.constant 512 : i32
    %mul3A_2 = arith.muli %add3A, %mul3A_1 : i32
    "tpu.region"() ({
      %run_scoped3A = tpu.sem_alloc : memref<!tpu.dma_semaphore, #tpu.memory_space<semaphore_mem>>
      %dma_start3A_65 = arith.constant 0 : i32
      %dma_start3A_66 = arith.constant 0 : i32
      %dma_start3A_67 = tpu.memref_slice %arg2[%add3A, %dma_start3A_65, %dma_start3A_66] : memref<32x4x128xi32, #tpu.memory_space<hbm>> -> memref<1x4x128xi32, #tpu.memory_space<hbm>>
      %dma_start3A_68 = tpu.memref_squeeze %dma_start3A_67 : memref<1x4x128xi32, #tpu.memory_space<hbm>> -> memref<4x128xi32, #tpu.memory_space<hbm>>
      %dma_start3A_69 = arith.constant 0 : i32
      %dma_start3A_70 = arith.constant 0 : i32
      %dma_start3A_71 = tpu.memref_slice %arg2[%add3A, %dma_start3A_69, %dma_start3A_70] : memref<32x4x128xi32, #tpu.memory_space<hbm>> -> memref<1x4x128xi32, #tpu.memory_space<hbm>>
      %dma_start3A_72 = tpu.memref_squeeze %dma_start3A_71 : memref<1x4x128xi32, #tpu.memory_space<hbm>> -> memref<4x128xi32, #tpu.memory_space<hbm>>
      tpu.enqueue_dma source(%dma_start3A_72 : memref<4x128xi32, #tpu.memory_space<hbm>>) target(%arg5 : memref<4x128xi32, #tpu.memory_space<vmem>>) target_semaphore(%run_scoped3A : memref<!tpu.dma_semaphore, #tpu.memory_space<semaphore_mem>>)
      %dma_wait3A_73 = arith.constant 0 : i32
      %dma_wait3A_74 = arith.constant 0 : i32
      %dma_wait3A_75 = tpu.memref_slice %arg2[%add3A, %dma_wait3A_73, %dma_wait3A_74] : memref<32x4x128xi32, #tpu.memory_space<hbm>> -> memref<1x4x128xi32, #tpu.memory_space<hbm>>
      %dma_wait3A_76 = tpu.memref_squeeze %dma_wait3A_75 : memref<1x4x128xi32, #tpu.memory_space<hbm>> -> memref<4x128xi32, #tpu.memory_space<hbm>>
      %dma_wait3A_77 = arith.constant 0 : i32
      %dma_wait3A_78 = arith.constant 0 : i32
      %dma_wait3A_79 = tpu.memref_slice %arg2[%add3A, %dma_wait3A_77, %dma_wait3A_78] : memref<32x4x128xi32, #tpu.memory_space<hbm>> -> memref<1x4x128xi32, #tpu.memory_space<hbm>>
      %dma_wait3A_80 = tpu.memref_squeeze %dma_wait3A_79 : memref<1x4x128xi32, #tpu.memory_space<hbm>> -> memref<4x128xi32, #tpu.memory_space<hbm>>
      tpu.wait_dma2 semaphore(%run_scoped3A : memref<!tpu.dma_semaphore, #tpu.memory_space<semaphore_mem>>) src(%dma_wait3A_80 : memref<4x128xi32, #tpu.memory_space<hbm>>) dst(%arg5 : memref<4x128xi32, #tpu.memory_space<vmem>>)
      tpu.yield
    }) : () -> ()
    %dma_start3A = arith.constant 0 : i32
    %dma_start3A_3 = arith.constant 0 : i32
    %dma_start3A_4 = tpu.memref_slice %arg5[%dma_start3A, %dma_start3A_3] : memref<4x128xi32, #tpu.memory_space<vmem>> -> memref<1x128xi32, #tpu.memory_space<vmem>>
    %dma_start3A_5 = tpu.memref_squeeze %dma_start3A_4 : memref<1x128xi32, #tpu.memory_space<vmem>> -> memref<128xi32, #tpu.memory_space<vmem>>
    %dma_start3A_6 = arith.constant 0 : i32
    %dma_start3A_7 = arith.constant 0 : i32
    %dma_start3A_8 = tpu.memref_slice %arg3[%dma_start3A_6, %dma_start3A_7] : memref<8192x256xf32, #tpu.memory_space<hbm>> -> memref<8192x256xf32, #tpu.memory_space<hbm>>
    tpu.enqueue_indirect_dma source(%dma_start3A_8 : memref<8192x256xf32, #tpu.memory_space<hbm>>) target(%arg6 : memref<128x256xf32, #tpu.memory_space<vmem>>) offsets(%dma_start3A_5 : memref<128xi32, #tpu.memory_space<vmem>>) semaphore(%arg8 : memref<!tpu.dma_semaphore, #tpu.memory_space<semaphore_mem>>)
    %dma_wait3A = arith.constant 0 : i32
    %dma_wait3A_9 = arith.constant 0 : i32
    %dma_wait3A_10 = tpu.memref_slice %arg5[%dma_wait3A, %dma_wait3A_9] : memref<4x128xi32, #tpu.memory_space<vmem>> -> memref<1x128xi32, #tpu.memory_space<vmem>>
    %dma_wait3A_11 = tpu.memref_squeeze %dma_wait3A_10 : memref<1x128xi32, #tpu.memory_space<vmem>> -> memref<128xi32, #tpu.memory_space<vmem>>
    %dma_wait3A_12 = arith.constant 0 : i32
    %dma_wait3A_13 = arith.constant 0 : i32
    %dma_wait3A_14 = tpu.memref_slice %arg3[%dma_wait3A_12, %dma_wait3A_13] : memref<8192x256xf32, #tpu.memory_space<hbm>> -> memref<8192x256xf32, #tpu.memory_space<hbm>>
    tpu.wait_indirect_dma semaphore(%arg8 : memref<!tpu.dma_semaphore, #tpu.memory_space<semaphore_mem>>) src(%dma_wait3A_14 : memref<8192x256xf32, #tpu.memory_space<hbm>>) dst(%arg6 : memref<128x256xf32, #tpu.memory_space<vmem>>)
    %dma_start3A_15 = arith.constant 1 : i32
    %dma_start3A_16 = arith.constant 0 : i32
    %dma_start3A_17 = tpu.memref_slice %arg5[%dma_start3A_15, %dma_start3A_16] : memref<4x128xi32, #tpu.memory_space<vmem>> -> memref<1x128xi32, #tpu.memory_space<vmem>>
    %dma_start3A_18 = tpu.memref_squeeze %dma_start3A_17 : memref<1x128xi32, #tpu.memory_space<vmem>> -> memref<128xi32, #tpu.memory_space<vmem>>
    %dma_start3A_19 = arith.constant 0 : i32
    %dma_start3A_20 = arith.constant 0 : i32
    %dma_start3A_21 = tpu.memref_slice %arg3[%dma_start3A_19, %dma_start3A_20] : memref<8192x256xf32, #tpu.memory_space<hbm>> -> memref<8192x256xf32, #tpu.memory_space<hbm>>
    tpu.enqueue_indirect_dma source(%dma_start3A_21 : memref<8192x256xf32, #tpu.memory_space<hbm>>) target(%arg7 : memref<128x256xf32, #tpu.memory_space<vmem>>) offsets(%dma_start3A_18 : memref<128xi32, #tpu.memory_space<vmem>>) semaphore(%arg9 : memref<!tpu.dma_semaphore, #tpu.memory_space<semaphore_mem>>)
    %add3A_22 = arith.constant 0 : i32
    %add3A_23 = arith.addi %mul3A_2, %add3A_22 : i32
    "tpu.region"() ({
      %run_scoped3A = tpu.sem_alloc : memref<!tpu.dma_semaphore, #tpu.memory_space<semaphore_mem>>
      %dma_start3A_65 = arith.constant 0 : i32
      %dma_start3A_66 = tpu.memref_slice %arg4[%add3A_23, %dma_start3A_65] : memref<16384x256xf32, #tpu.memory_space<hbm>> -> memref<128x256xf32, #tpu.memory_space<hbm>>
      %dma_start3A_67 = arith.constant 0 : i32
      %dma_start3A_68 = tpu.memref_slice %arg4[%add3A_23, %dma_start3A_67] : memref<16384x256xf32, #tpu.memory_space<hbm>> -> memref<128x256xf32, #tpu.memory_space<hbm>>
      tpu.enqueue_dma source(%arg6 : memref<128x256xf32, #tpu.memory_space<vmem>>) target(%dma_start3A_68 : memref<128x256xf32, #tpu.memory_space<hbm>>) target_semaphore(%run_scoped3A : memref<!tpu.dma_semaphore, #tpu.memory_space<semaphore_mem>>)
      %dma_wait3A_69 = arith.constant 0 : i32
      %dma_wait3A_70 = tpu.memref_slice %arg4[%add3A_23, %dma_wait3A_69] : memref<16384x256xf32, #tpu.memory_space<hbm>> -> memref<128x256xf32, #tpu.memory_space<hbm>>
      %dma_wait3A_71 = arith.constant 0 : i32
      %dma_wait3A_72 = tpu.memref_slice %arg4[%add3A_23, %dma_wait3A_71] : memref<16384x256xf32, #tpu.memory_space<hbm>> -> memref<128x256xf32, #tpu.memory_space<hbm>>
      tpu.wait_dma2 semaphore(%run_scoped3A : memref<!tpu.dma_semaphore, #tpu.memory_space<semaphore_mem>>) src(%arg6 : memref<128x256xf32, #tpu.memory_space<vmem>>) dst(%dma_wait3A_72 : memref<128x256xf32, #tpu.memory_space<hbm>>)
      tpu.yield
    }) : () -> ()
    %dma_wait3A_24 = arith.constant 1 : i32
    %dma_wait3A_25 = arith.constant 0 : i32
    %dma_wait3A_26 = tpu.memref_slice %arg5[%dma_wait3A_24, %dma_wait3A_25] : memref<4x128xi32, #tpu.memory_space<vmem>> -> memref<1x128xi32, #tpu.memory_space<vmem>>
    %dma_wait3A_27 = tpu.memref_squeeze %dma_wait3A_26 : memref<1x128xi32, #tpu.memory_space<vmem>> -> memref<128xi32, #tpu.memory_space<vmem>>
    %dma_wait3A_28 = arith.constant 0 : i32
    %dma_wait3A_29 = arith.constant 0 : i32
    %dma_wait3A_30 = tpu.memref_slice %arg3[%dma_wait3A_28, %dma_wait3A_29] : memref<8192x256xf32, #tpu.memory_space<hbm>> -> memref<8192x256xf32, #tpu.memory_space<hbm>>
    tpu.wait_indirect_dma semaphore(%arg9 : memref<!tpu.dma_semaphore, #tpu.memory_space<semaphore_mem>>) src(%dma_wait3A_30 : memref<8192x256xf32, #tpu.memory_space<hbm>>) dst(%arg7 : memref<128x256xf32, #tpu.memory_space<vmem>>)
    %dma_start3A_31 = arith.constant 2 : i32
    %dma_start3A_32 = arith.constant 0 : i32
    %dma_start3A_33 = tpu.memref_slice %arg5[%dma_start3A_31, %dma_start3A_32] : memref<4x128xi32, #tpu.memory_space<vmem>> -> memref<1x128xi32, #tpu.memory_space<vmem>>
    %dma_start3A_34 = tpu.memref_squeeze %dma_start3A_33 : memref<1x128xi32, #tpu.memory_space<vmem>> -> memref<128xi32, #tpu.memory_space<vmem>>
    %dma_start3A_35 = arith.constant 0 : i32
    %dma_start3A_36 = arith.constant 0 : i32
    %dma_start3A_37 = tpu.memref_slice %arg3[%dma_start3A_35, %dma_start3A_36] : memref<8192x256xf32, #tpu.memory_space<hbm>> -> memref<8192x256xf32, #tpu.memory_space<hbm>>
    tpu.enqueue_indirect_dma source(%dma_start3A_37 : memref<8192x256xf32, #tpu.memory_space<hbm>>) target(%arg6 : memref<128x256xf32, #tpu.memory_space<vmem>>) offsets(%dma_start3A_34 : memref<128xi32, #tpu.memory_space<vmem>>) semaphore(%arg8 : memref<!tpu.dma_semaphore, #tpu.memory_space<semaphore_mem>>)
    %add3A_38 = arith.constant 128 : i32
    %add3A_39 = arith.addi %mul3A_2, %add3A_38 : i32
    "tpu.region"() ({
      %run_scoped3A = tpu.sem_alloc : memref<!tpu.dma_semaphore, #tpu.memory_space<semaphore_mem>>
      %dma_start3A_65 = arith.constant 0 : i32
      %dma_start3A_66 = tpu.memref_slice %arg4[%add3A_39, %dma_start3A_65] : memref<16384x256xf32, #tpu.memory_space<hbm>> -> memref<128x256xf32, #tpu.memory_space<hbm>>
      %dma_start3A_67 = arith.constant 0 : i32
      %dma_start3A_68 = tpu.memref_slice %arg4[%add3A_39, %dma_start3A_67] : memref<16384x256xf32, #tpu.memory_space<hbm>> -> memref<128x256xf32, #tpu.memory_space<hbm>>
      tpu.enqueue_dma source(%arg7 : memref<128x256xf32, #tpu.memory_space<vmem>>) target(%dma_start3A_68 : memref<128x256xf32, #tpu.memory_space<hbm>>) target_semaphore(%run_scoped3A : memref<!tpu.dma_semaphore, #tpu.memory_space<semaphore_mem>>)
      %dma_wait3A_69 = arith.constant 0 : i32
      %dma_wait3A_70 = tpu.memref_slice %arg4[%add3A_39, %dma_wait3A_69] : memref<16384x256xf32, #tpu.memory_space<hbm>> -> memref<128x256xf32, #tpu.memory_space<hbm>>
      %dma_wait3A_71 = arith.constant 0 : i32
      %dma_wait3A_72 = tpu.memref_slice %arg4[%add3A_39, %dma_wait3A_71] : memref<16384x256xf32, #tpu.memory_space<hbm>> -> memref<128x256xf32, #tpu.memory_space<hbm>>
      tpu.wait_dma2 semaphore(%run_scoped3A : memref<!tpu.dma_semaphore, #tpu.memory_space<semaphore_mem>>) src(%arg7 : memref<128x256xf32, #tpu.memory_space<vmem>>) dst(%dma_wait3A_72 : memref<128x256xf32, #tpu.memory_space<hbm>>)
      tpu.yield
    }) : () -> ()
    %dma_wait3A_40 = arith.constant 2 : i32
    %dma_wait3A_41 = arith.constant 0 : i32
    %dma_wait3A_42 = tpu.memref_slice %arg5[%dma_wait3A_40, %dma_wait3A_41] : memref<4x128xi32, #tpu.memory_space<vmem>> -> memref<1x128xi32, #tpu.memory_space<vmem>>
    %dma_wait3A_43 = tpu.memref_squeeze %dma_wait3A_42 : memref<1x128xi32, #tpu.memory_space<vmem>> -> memref<128xi32, #tpu.memory_space<vmem>>
    %dma_wait3A_44 = arith.constant 0 : i32
    %dma_wait3A_45 = arith.constant 0 : i32
    %dma_wait3A_46 = tpu.memref_slice %arg3[%dma_wait3A_44, %dma_wait3A_45] : memref<8192x256xf32, #tpu.memory_space<hbm>> -> memref<8192x256xf32, #tpu.memory_space<hbm>>
    tpu.wait_indirect_dma semaphore(%arg8 : memref<!tpu.dma_semaphore, #tpu.memory_space<semaphore_mem>>) src(%dma_wait3A_46 : memref<8192x256xf32, #tpu.memory_space<hbm>>) dst(%arg6 : memref<128x256xf32, #tpu.memory_space<vmem>>)
    %dma_start3A_47 = arith.constant 3 : i32
    %dma_start3A_48 = arith.constant 0 : i32
    %dma_start3A_49 = tpu.memref_slice %arg5[%dma_start3A_47, %dma_start3A_48] : memref<4x128xi32, #tpu.memory_space<vmem>> -> memref<1x128xi32, #tpu.memory_space<vmem>>
    %dma_start3A_50 = tpu.memref_squeeze %dma_start3A_49 : memref<1x128xi32, #tpu.memory_space<vmem>> -> memref<128xi32, #tpu.memory_space<vmem>>
    %dma_start3A_51 = arith.constant 0 : i32
    %dma_start3A_52 = arith.constant 0 : i32
    %dma_start3A_53 = tpu.memref_slice %arg3[%dma_start3A_51, %dma_start3A_52] : memref<8192x256xf32, #tpu.memory_space<hbm>> -> memref<8192x256xf32, #tpu.memory_space<hbm>>
    tpu.enqueue_indirect_dma source(%dma_start3A_53 : memref<8192x256xf32, #tpu.memory_space<hbm>>) target(%arg7 : memref<128x256xf32, #tpu.memory_space<vmem>>) offsets(%dma_start3A_50 : memref<128xi32, #tpu.memory_space<vmem>>) semaphore(%arg9 : memref<!tpu.dma_semaphore, #tpu.memory_space<semaphore_mem>>)
    %add3A_54 = arith.constant 256 : i32
    %add3A_55 = arith.addi %mul3A_2, %add3A_54 : i32
    "tpu.region"() ({
      %run_scoped3A = tpu.sem_alloc : memref<!tpu.dma_semaphore, #tpu.memory_space<semaphore_mem>>
      %dma_start3A_65 = arith.constant 0 : i32
      %dma_start3A_66 = tpu.memref_slice %arg4[%add3A_55, %dma_start3A_65] : memref<16384x256xf32, #tpu.memory_space<hbm>> -> memref<128x256xf32, #tpu.memory_space<hbm>>
      %dma_start3A_67 = arith.constant 0 : i32
      %dma_start3A_68 = tpu.memref_slice %arg4[%add3A_55, %dma_start3A_67] : memref<16384x256xf32, #tpu.memory_space<hbm>> -> memref<128x256xf32, #tpu.memory_space<hbm>>
      tpu.enqueue_dma source(%arg6 : memref<128x256xf32, #tpu.memory_space<vmem>>) target(%dma_start3A_68 : memref<128x256xf32, #tpu.memory_space<hbm>>) target_semaphore(%run_scoped3A : memref<!tpu.dma_semaphore, #tpu.memory_space<semaphore_mem>>)
      %dma_wait3A_69 = arith.constant 0 : i32
      %dma_wait3A_70 = tpu.memref_slice %arg4[%add3A_55, %dma_wait3A_69] : memref<16384x256xf32, #tpu.memory_space<hbm>> -> memref<128x256xf32, #tpu.memory_space<hbm>>
      %dma_wait3A_71 = arith.constant 0 : i32
      %dma_wait3A_72 = tpu.memref_slice %arg4[%add3A_55, %dma_wait3A_71] : memref<16384x256xf32, #tpu.memory_space<hbm>> -> memref<128x256xf32, #tpu.memory_space<hbm>>
      tpu.wait_dma2 semaphore(%run_scoped3A : memref<!tpu.dma_semaphore, #tpu.memory_space<semaphore_mem>>) src(%arg6 : memref<128x256xf32, #tpu.memory_space<vmem>>) dst(%dma_wait3A_72 : memref<128x256xf32, #tpu.memory_space<hbm>>)
      tpu.yield
    }) : () -> ()
    %dma_wait3A_56 = arith.constant 3 : i32
    %dma_wait3A_57 = arith.constant 0 : i32
    %dma_wait3A_58 = tpu.memref_slice %arg5[%dma_wait3A_56, %dma_wait3A_57] : memref<4x128xi32, #tpu.memory_space<vmem>> -> memref<1x128xi32, #tpu.memory_space<vmem>>
    %dma_wait3A_59 = tpu.memref_squeeze %dma_wait3A_58 : memref<1x128xi32, #tpu.memory_space<vmem>> -> memref<128xi32, #tpu.memory_space<vmem>>
    %dma_wait3A_60 = arith.constant 0 : i32
    %dma_wait3A_61 = arith.constant 0 : i32
    %dma_wait3A_62 = tpu.memref_slice %arg3[%dma_wait3A_60, %dma_wait3A_61] : memref<8192x256xf32, #tpu.memory_space<hbm>> -> memref<8192x256xf32, #tpu.memory_space<hbm>>
    tpu.wait_indirect_dma semaphore(%arg9 : memref<!tpu.dma_semaphore, #tpu.memory_space<semaphore_mem>>) src(%dma_wait3A_62 : memref<8192x256xf32, #tpu.memory_space<hbm>>) dst(%arg7 : memref<128x256xf32, #tpu.memory_space<vmem>>)
    %add3A_63 = arith.constant 384 : i32
    %add3A_64 = arith.addi %mul3A_2, %add3A_63 : i32
    "tpu.region"() ({
      %run_scoped3A = tpu.sem_alloc : memref<!tpu.dma_semaphore, #tpu.memory_space<semaphore_mem>>
      %dma_start3A_65 = arith.constant 0 : i32
      %dma_start3A_66 = tpu.memref_slice %arg4[%add3A_64, %dma_start3A_65] : memref<16384x256xf32, #tpu.memory_space<hbm>> -> memref<128x256xf32, #tpu.memory_space<hbm>>
      %dma_start3A_67 = arith.constant 0 : i32
      %dma_start3A_68 = tpu.memref_slice %arg4[%add3A_64, %dma_start3A_67] : memref<16384x256xf32, #tpu.memory_space<hbm>> -> memref<128x256xf32, #tpu.memory_space<hbm>>
      tpu.enqueue_dma source(%arg7 : memref<128x256xf32, #tpu.memory_space<vmem>>) target(%dma_start3A_68 : memref<128x256xf32, #tpu.memory_space<hbm>>) target_semaphore(%run_scoped3A : memref<!tpu.dma_semaphore, #tpu.memory_space<semaphore_mem>>)
      %dma_wait3A_69 = arith.constant 0 : i32
      %dma_wait3A_70 = tpu.memref_slice %arg4[%add3A_64, %dma_wait3A_69] : memref<16384x256xf32, #tpu.memory_space<hbm>> -> memref<128x256xf32, #tpu.memory_space<hbm>>
      %dma_wait3A_71 = arith.constant 0 : i32
      %dma_wait3A_72 = tpu.memref_slice %arg4[%add3A_64, %dma_wait3A_71] : memref<16384x256xf32, #tpu.memory_space<hbm>> -> memref<128x256xf32, #tpu.memory_space<hbm>>
      tpu.wait_dma2 semaphore(%run_scoped3A : memref<!tpu.dma_semaphore, #tpu.memory_space<semaphore_mem>>) src(%arg7 : memref<128x256xf32, #tpu.memory_space<vmem>>) dst(%dma_wait3A_72 : memref<128x256xf32, #tpu.memory_space<hbm>>)
      tpu.yield
    }) : () -> ()
    return
  }
}

module attributes {stable_mosaic.version = 14 : i64} {
  func.func @_assign_body(%arg0: i32, %arg1: memref<256x256xf32, #tpu.memory_space<vmem>>, %arg2: memref<256x1xf32, #tpu.memory_space<vmem>>, %arg3: memref<8192x256xbf16, #tpu.memory_space<vmem>>, %arg4: memref<1x8192xf32, #tpu.memory_space<vmem>>, %arg5: memref<256x1xi32, #tpu.memory_space<vmem>>) attributes {dimension_semantics = [#tpu.dimension_semantics<arbitrary>], iteration_bounds = array<i64: 64>, scalar_prefetch = 0 : i64, scratch_operands = 0 : i64, tpu.core_type = #tpu.core_type<tc>, window_params = [{transform_indices = @transform_0, window_bounds = array<i64: 256, 256>}, {transform_indices = @transform_1, window_bounds = array<i64: 256, 1>}, {pipeline_mode = #tpu.pipeline_mode<synchronous>, transform_indices = @transform_2, window_bounds = array<i64: 8192, 256>}, {pipeline_mode = #tpu.pipeline_mode<synchronous>, transform_indices = @transform_3, window_bounds = array<i64: 1, 8192>}, {transform_indices = @transform_4, window_bounds = array<i64: 256, 1>}]} {
    %get3A = arith.constant 0 : index
    %get3A_0 = arith.constant 0 : index
    %get3A_1 = vector.load %arg1[%get3A, %get3A_0] : memref<256x256xf32, #tpu.memory_space<vmem>>, vector<256x256xf32>
    %get3A_2 = arith.constant 0 : index
    %get3A_3 = arith.constant 0 : index
    %get3A_4 = vector.load %arg2[%get3A_2, %get3A_3] : memref<256x1xf32, #tpu.memory_space<vmem>>, vector<256x1xf32>
    %mul3A = arith.constant 2.000000e+00 : f32
    %mul3A_5 = vector.broadcast %mul3A : f32 to vector<256x256xf32>
    %mul3A_6 = arith.mulf %mul3A_5, %get3A_1 : vector<256x256xf32>
    %convert_element_type3A = arith.truncf %mul3A_6 : vector<256x256xf32> to vector<256x256xbf16>
    %iota3A = tpu.iota {dimensions = array<i32: 1>} : vector<256x128xi32>
    %get3A_7 = arith.constant 0 : index
    %get3A_8 = arith.constant 0 : index
    %get3A_9 = vector.load %arg3[%get3A_7, %get3A_8] : memref<8192x256xbf16, #tpu.memory_space<vmem>>, vector<2816x256xbf16>
    %dot_general3A = arith.constant dense<0.000000e+00> : vector<256x2816xf32>
    %dot_general3A_10 = tpu.matmul %convert_element_type3A, %get3A_9, %dot_general3A {dimension_numbers = #tpu.dot_dimension_numbers<[1], [1], [0], [0], [0, 0, 1, 0], [], []>, transpose_lhs_hint = false} : vector<256x256xbf16>, vector<2816x256xbf16>, vector<256x2816xf32> -> vector<256x2816xf32>
    %broadcast_in_dim3A = arith.constant 0 : i32
    %broadcast_in_dim3A_11 = vector.broadcast %broadcast_in_dim3A : i32 to vector<256x128xi32>
    %get3A_12 = arith.constant 0 : index
    %get3A_13 = arith.constant 0 : index
    %get3A_14 = vector.load %arg4[%get3A_12, %get3A_13] : memref<1x8192xf32, #tpu.memory_space<vmem>>, vector<1x128xf32>
    %add3A = vector.broadcast %get3A_4 : vector<256x1xf32> to vector<256x128xf32>
    %add3A_15 = vector.broadcast %get3A_14 : vector<1x128xf32> to vector<256x128xf32>
    %add3A_16 = arith.addf %add3A, %add3A_15 : vector<256x128xf32>
    %slice3A = vector.extract_strided_slice %dot_general3A_10 {offsets = [0, 0], sizes = [256, 128], strides = [1, 1]} : vector<256x2816xf32> to vector<256x128xf32>
    %sub3A = arith.subf %add3A_16, %slice3A : vector<256x128xf32>
    %max3A = arith.constant 0.000000e+00 : f32
    %max3A_17 = vector.broadcast %max3A : f32 to vector<256x128xf32>
    %max3A_18 = arith.maximumf %sub3A, %max3A_17 : vector<256x128xf32>
    %eq3A = arith.constant 0.000000e+00 : f32
    %eq3A_19 = vector.broadcast %eq3A : f32 to vector<256x128xf32>
    %eq3A_20 = arith.cmpf oeq, %max3A_18, %eq3A_19 : vector<256x128xf32>
    %rsqrt3A = math.rsqrt %max3A_18 : vector<256x128xf32>
    %mul3A_21 = arith.mulf %max3A_18, %rsqrt3A : vector<256x128xf32>
    %jit3A = arith.constant 0.000000e+00 : f32
    %broadcast_in_dim3A_22 = vector.broadcast %jit3A : f32 to vector<256x128xf32>
    %select_n3A = arith.select %eq3A_20, %broadcast_in_dim3A_22, %mul3A_21 : vector<256x128xi1>, vector<256x128xf32>
    %get3A_23 = arith.constant 0 : index
    %get3A_24 = arith.constant 128 : index
    %get3A_25 = vector.load %arg4[%get3A_23, %get3A_24] : memref<1x8192xf32, #tpu.memory_space<vmem>>, vector<1x128xf32>
    %add3A_26 = vector.broadcast %get3A_4 : vector<256x1xf32> to vector<256x128xf32>
    %add3A_27 = vector.broadcast %get3A_25 : vector<1x128xf32> to vector<256x128xf32>
    %add3A_28 = arith.addf %add3A_26, %add3A_27 : vector<256x128xf32>
    %slice3A_29 = vector.extract_strided_slice %dot_general3A_10 {offsets = [0, 128], sizes = [256, 128], strides = [1, 1]} : vector<256x2816xf32> to vector<256x128xf32>
    %sub3A_30 = arith.subf %add3A_28, %slice3A_29 : vector<256x128xf32>
    %max3A_31 = arith.constant 0.000000e+00 : f32
    %max3A_32 = vector.broadcast %max3A_31 : f32 to vector<256x128xf32>
    %max3A_33 = arith.maximumf %sub3A_30, %max3A_32 : vector<256x128xf32>
    %eq3A_34 = arith.constant 0.000000e+00 : f32
    %eq3A_35 = vector.broadcast %eq3A_34 : f32 to vector<256x128xf32>
    %eq3A_36 = arith.cmpf oeq, %max3A_33, %eq3A_35 : vector<256x128xf32>
    %rsqrt3A_37 = math.rsqrt %max3A_33 : vector<256x128xf32>
    %mul3A_38 = arith.mulf %max3A_33, %rsqrt3A_37 : vector<256x128xf32>
    %jit3A_39 = arith.constant 0.000000e+00 : f32
    %broadcast_in_dim3A_40 = vector.broadcast %jit3A_39 : f32 to vector<256x128xf32>
    %select_n3A_41 = arith.select %eq3A_36, %broadcast_in_dim3A_40, %mul3A_38 : vector<256x128xi1>, vector<256x128xf32>
    %lt3A = arith.cmpf olt, %select_n3A_41, %select_n3A : vector<256x128xf32>
    %select_n3A_42 = arith.select %lt3A, %select_n3A_41, %select_n3A : vector<256x128xi1>, vector<256x128xf32>
    %jit3A_43 = arith.constant 1 : i32
    %broadcast_in_dim3A_44 = vector.broadcast %jit3A_43 : i32 to vector<256x128xi32>
    %select_n3A_45 = arith.select %lt3A, %broadcast_in_dim3A_44, %broadcast_in_dim3A_11 : vector<256x128xi1>, vector<256x128xi32>
    %get3A_46 = arith.constant 0 : index
    %get3A_47 = arith.constant 256 : index
    %get3A_48 = vector.load %arg4[%get3A_46, %get3A_47] : memref<1x8192xf32, #tpu.memory_space<vmem>>, vector<1x128xf32>
    %add3A_49 = vector.broadcast %get3A_4 : vector<256x1xf32> to vector<256x128xf32>
    %add3A_50 = vector.broadcast %get3A_48 : vector<1x128xf32> to vector<256x128xf32>
    %add3A_51 = arith.addf %add3A_49, %add3A_50 : vector<256x128xf32>
    %slice3A_52 = vector.extract_strided_slice %dot_general3A_10 {offsets = [0, 256], sizes = [256, 128], strides = [1, 1]} : vector<256x2816xf32> to vector<256x128xf32>
    %sub3A_53 = arith.subf %add3A_51, %slice3A_52 : vector<256x128xf32>
    %max3A_54 = arith.constant 0.000000e+00 : f32
    %max3A_55 = vector.broadcast %max3A_54 : f32 to vector<256x128xf32>
    %max3A_56 = arith.maximumf %sub3A_53, %max3A_55 : vector<256x128xf32>
    %eq3A_57 = arith.constant 0.000000e+00 : f32
    %eq3A_58 = vector.broadcast %eq3A_57 : f32 to vector<256x128xf32>
    %eq3A_59 = arith.cmpf oeq, %max3A_56, %eq3A_58 : vector<256x128xf32>
    %rsqrt3A_60 = math.rsqrt %max3A_56 : vector<256x128xf32>
    %mul3A_61 = arith.mulf %max3A_56, %rsqrt3A_60 : vector<256x128xf32>
    %jit3A_62 = arith.constant 0.000000e+00 : f32
    %broadcast_in_dim3A_63 = vector.broadcast %jit3A_62 : f32 to vector<256x128xf32>
    %select_n3A_64 = arith.select %eq3A_59, %broadcast_in_dim3A_63, %mul3A_61 : vector<256x128xi1>, vector<256x128xf32>
    %lt3A_65 = arith.cmpf olt, %select_n3A_64, %select_n3A_42 : vector<256x128xf32>
    %select_n3A_66 = arith.select %lt3A_65, %select_n3A_64, %select_n3A_42 : vector<256x128xi1>, vector<256x128xf32>
    %jit3A_67 = arith.constant 2 : i32
    %broadcast_in_dim3A_68 = vector.broadcast %jit3A_67 : i32 to vector<256x128xi32>
    %select_n3A_69 = arith.select %lt3A_65, %broadcast_in_dim3A_68, %select_n3A_45 : vector<256x128xi1>, vector<256x128xi32>
    %get3A_70 = arith.constant 0 : index
    %get3A_71 = arith.constant 384 : index
    %get3A_72 = vector.load %arg4[%get3A_70, %get3A_71] : memref<1x8192xf32, #tpu.memory_space<vmem>>, vector<1x128xf32>
    %add3A_73 = vector.broadcast %get3A_4 : vector<256x1xf32> to vector<256x128xf32>
    %add3A_74 = vector.broadcast %get3A_72 : vector<1x128xf32> to vector<256x128xf32>
    %add3A_75 = arith.addf %add3A_73, %add3A_74 : vector<256x128xf32>
    %slice3A_76 = vector.extract_strided_slice %dot_general3A_10 {offsets = [0, 384], sizes = [256, 128], strides = [1, 1]} : vector<256x2816xf32> to vector<256x128xf32>
    %sub3A_77 = arith.subf %add3A_75, %slice3A_76 : vector<256x128xf32>
    %max3A_78 = arith.constant 0.000000e+00 : f32
    %max3A_79 = vector.broadcast %max3A_78 : f32 to vector<256x128xf32>
    %max3A_80 = arith.maximumf %sub3A_77, %max3A_79 : vector<256x128xf32>
    %eq3A_81 = arith.constant 0.000000e+00 : f32
    %eq3A_82 = vector.broadcast %eq3A_81 : f32 to vector<256x128xf32>
    %eq3A_83 = arith.cmpf oeq, %max3A_80, %eq3A_82 : vector<256x128xf32>
    %rsqrt3A_84 = math.rsqrt %max3A_80 : vector<256x128xf32>
    %mul3A_85 = arith.mulf %max3A_80, %rsqrt3A_84 : vector<256x128xf32>
    %jit3A_86 = arith.constant 0.000000e+00 : f32
    %broadcast_in_dim3A_87 = vector.broadcast %jit3A_86 : f32 to vector<256x128xf32>
    %select_n3A_88 = arith.select %eq3A_83, %broadcast_in_dim3A_87, %mul3A_85 : vector<256x128xi1>, vector<256x128xf32>
    %lt3A_89 = arith.cmpf olt, %select_n3A_88, %select_n3A_66 : vector<256x128xf32>
    %select_n3A_90 = arith.select %lt3A_89, %select_n3A_88, %select_n3A_66 : vector<256x128xi1>, vector<256x128xf32>
    %jit3A_91 = arith.constant 3 : i32
    %broadcast_in_dim3A_92 = vector.broadcast %jit3A_91 : i32 to vector<256x128xi32>
    %select_n3A_93 = arith.select %lt3A_89, %broadcast_in_dim3A_92, %select_n3A_69 : vector<256x128xi1>, vector<256x128xi32>
    %get3A_94 = arith.constant 0 : index
    %get3A_95 = arith.constant 512 : index
    %get3A_96 = vector.load %arg4[%get3A_94, %get3A_95] : memref<1x8192xf32, #tpu.memory_space<vmem>>, vector<1x128xf32>
    %add3A_97 = vector.broadcast %get3A_4 : vector<256x1xf32> to vector<256x128xf32>
    %add3A_98 = vector.broadcast %get3A_96 : vector<1x128xf32> to vector<256x128xf32>
    %add3A_99 = arith.addf %add3A_97, %add3A_98 : vector<256x128xf32>
    %slice3A_100 = vector.extract_strided_slice %dot_general3A_10 {offsets = [0, 512], sizes = [256, 128], strides = [1, 1]} : vector<256x2816xf32> to vector<256x128xf32>
    %sub3A_101 = arith.subf %add3A_99, %slice3A_100 : vector<256x128xf32>
    %max3A_102 = arith.constant 0.000000e+00 : f32
    %max3A_103 = vector.broadcast %max3A_102 : f32 to vector<256x128xf32>
    %max3A_104 = arith.maximumf %sub3A_101, %max3A_103 : vector<256x128xf32>
    %eq3A_105 = arith.constant 0.000000e+00 : f32
    %eq3A_106 = vector.broadcast %eq3A_105 : f32 to vector<256x128xf32>
    %eq3A_107 = arith.cmpf oeq, %max3A_104, %eq3A_106 : vector<256x128xf32>
    %rsqrt3A_108 = math.rsqrt %max3A_104 : vector<256x128xf32>
    %mul3A_109 = arith.mulf %max3A_104, %rsqrt3A_108 : vector<256x128xf32>
    %jit3A_110 = arith.constant 0.000000e+00 : f32
    %broadcast_in_dim3A_111 = vector.broadcast %jit3A_110 : f32 to vector<256x128xf32>
    %select_n3A_112 = arith.select %eq3A_107, %broadcast_in_dim3A_111, %mul3A_109 : vector<256x128xi1>, vector<256x128xf32>
    %lt3A_113 = arith.cmpf olt, %select_n3A_112, %select_n3A_90 : vector<256x128xf32>
    %select_n3A_114 = arith.select %lt3A_113, %select_n3A_112, %select_n3A_90 : vector<256x128xi1>, vector<256x128xf32>
    %jit3A_115 = arith.constant 4 : i32
    %broadcast_in_dim3A_116 = vector.broadcast %jit3A_115 : i32 to vector<256x128xi32>
    %select_n3A_117 = arith.select %lt3A_113, %broadcast_in_dim3A_116, %select_n3A_93 : vector<256x128xi1>, vector<256x128xi32>
    %get3A_118 = arith.constant 0 : index
    %get3A_119 = arith.constant 640 : index
    %get3A_120 = vector.load %arg4[%get3A_118, %get3A_119] : memref<1x8192xf32, #tpu.memory_space<vmem>>, vector<1x128xf32>
    %add3A_121 = vector.broadcast %get3A_4 : vector<256x1xf32> to vector<256x128xf32>
    %add3A_122 = vector.broadcast %get3A_120 : vector<1x128xf32> to vector<256x128xf32>
    %add3A_123 = arith.addf %add3A_121, %add3A_122 : vector<256x128xf32>
    %slice3A_124 = vector.extract_strided_slice %dot_general3A_10 {offsets = [0, 640], sizes = [256, 128], strides = [1, 1]} : vector<256x2816xf32> to vector<256x128xf32>
    %sub3A_125 = arith.subf %add3A_123, %slice3A_124 : vector<256x128xf32>
    %max3A_126 = arith.constant 0.000000e+00 : f32
    %max3A_127 = vector.broadcast %max3A_126 : f32 to vector<256x128xf32>
    %max3A_128 = arith.maximumf %sub3A_125, %max3A_127 : vector<256x128xf32>
    %eq3A_129 = arith.constant 0.000000e+00 : f32
    %eq3A_130 = vector.broadcast %eq3A_129 : f32 to vector<256x128xf32>
    %eq3A_131 = arith.cmpf oeq, %max3A_128, %eq3A_130 : vector<256x128xf32>
    %rsqrt3A_132 = math.rsqrt %max3A_128 : vector<256x128xf32>
    %mul3A_133 = arith.mulf %max3A_128, %rsqrt3A_132 : vector<256x128xf32>
    %jit3A_134 = arith.constant 0.000000e+00 : f32
    %broadcast_in_dim3A_135 = vector.broadcast %jit3A_134 : f32 to vector<256x128xf32>
    %select_n3A_136 = arith.select %eq3A_131, %broadcast_in_dim3A_135, %mul3A_133 : vector<256x128xi1>, vector<256x128xf32>
    %lt3A_137 = arith.cmpf olt, %select_n3A_136, %select_n3A_114 : vector<256x128xf32>
    %select_n3A_138 = arith.select %lt3A_137, %select_n3A_136, %select_n3A_114 : vector<256x128xi1>, vector<256x128xf32>
    %jit3A_139 = arith.constant 5 : i32
    %broadcast_in_dim3A_140 = vector.broadcast %jit3A_139 : i32 to vector<256x128xi32>
    %select_n3A_141 = arith.select %lt3A_137, %broadcast_in_dim3A_140, %select_n3A_117 : vector<256x128xi1>, vector<256x128xi32>
    %get3A_142 = arith.constant 0 : index
    %get3A_143 = arith.constant 768 : index
    %get3A_144 = vector.load %arg4[%get3A_142, %get3A_143] : memref<1x8192xf32, #tpu.memory_space<vmem>>, vector<1x128xf32>
    %add3A_145 = vector.broadcast %get3A_4 : vector<256x1xf32> to vector<256x128xf32>
    %add3A_146 = vector.broadcast %get3A_144 : vector<1x128xf32> to vector<256x128xf32>
    %add3A_147 = arith.addf %add3A_145, %add3A_146 : vector<256x128xf32>
    %slice3A_148 = vector.extract_strided_slice %dot_general3A_10 {offsets = [0, 768], sizes = [256, 128], strides = [1, 1]} : vector<256x2816xf32> to vector<256x128xf32>
    %sub3A_149 = arith.subf %add3A_147, %slice3A_148 : vector<256x128xf32>
    %max3A_150 = arith.constant 0.000000e+00 : f32
    %max3A_151 = vector.broadcast %max3A_150 : f32 to vector<256x128xf32>
    %max3A_152 = arith.maximumf %sub3A_149, %max3A_151 : vector<256x128xf32>
    %eq3A_153 = arith.constant 0.000000e+00 : f32
    %eq3A_154 = vector.broadcast %eq3A_153 : f32 to vector<256x128xf32>
    %eq3A_155 = arith.cmpf oeq, %max3A_152, %eq3A_154 : vector<256x128xf32>
    %rsqrt3A_156 = math.rsqrt %max3A_152 : vector<256x128xf32>
    %mul3A_157 = arith.mulf %max3A_152, %rsqrt3A_156 : vector<256x128xf32>
    %jit3A_158 = arith.constant 0.000000e+00 : f32
    %broadcast_in_dim3A_159 = vector.broadcast %jit3A_158 : f32 to vector<256x128xf32>
    %select_n3A_160 = arith.select %eq3A_155, %broadcast_in_dim3A_159, %mul3A_157 : vector<256x128xi1>, vector<256x128xf32>
    %lt3A_161 = arith.cmpf olt, %select_n3A_160, %select_n3A_138 : vector<256x128xf32>
    %select_n3A_162 = arith.select %lt3A_161, %select_n3A_160, %select_n3A_138 : vector<256x128xi1>, vector<256x128xf32>
    %jit3A_163 = arith.constant 6 : i32
    %broadcast_in_dim3A_164 = vector.broadcast %jit3A_163 : i32 to vector<256x128xi32>
    %select_n3A_165 = arith.select %lt3A_161, %broadcast_in_dim3A_164, %select_n3A_141 : vector<256x128xi1>, vector<256x128xi32>
    %get3A_166 = arith.constant 0 : index
    %get3A_167 = arith.constant 896 : index
    %get3A_168 = vector.load %arg4[%get3A_166, %get3A_167] : memref<1x8192xf32, #tpu.memory_space<vmem>>, vector<1x128xf32>
    %add3A_169 = vector.broadcast %get3A_4 : vector<256x1xf32> to vector<256x128xf32>
    %add3A_170 = vector.broadcast %get3A_168 : vector<1x128xf32> to vector<256x128xf32>
    %add3A_171 = arith.addf %add3A_169, %add3A_170 : vector<256x128xf32>
    %slice3A_172 = vector.extract_strided_slice %dot_general3A_10 {offsets = [0, 896], sizes = [256, 128], strides = [1, 1]} : vector<256x2816xf32> to vector<256x128xf32>
    %sub3A_173 = arith.subf %add3A_171, %slice3A_172 : vector<256x128xf32>
    %max3A_174 = arith.constant 0.000000e+00 : f32
    %max3A_175 = vector.broadcast %max3A_174 : f32 to vector<256x128xf32>
    %max3A_176 = arith.maximumf %sub3A_173, %max3A_175 : vector<256x128xf32>
    %eq3A_177 = arith.constant 0.000000e+00 : f32
    %eq3A_178 = vector.broadcast %eq3A_177 : f32 to vector<256x128xf32>
    %eq3A_179 = arith.cmpf oeq, %max3A_176, %eq3A_178 : vector<256x128xf32>
    %rsqrt3A_180 = math.rsqrt %max3A_176 : vector<256x128xf32>
    %mul3A_181 = arith.mulf %max3A_176, %rsqrt3A_180 : vector<256x128xf32>
    %jit3A_182 = arith.constant 0.000000e+00 : f32
    %broadcast_in_dim3A_183 = vector.broadcast %jit3A_182 : f32 to vector<256x128xf32>
    %select_n3A_184 = arith.select %eq3A_179, %broadcast_in_dim3A_183, %mul3A_181 : vector<256x128xi1>, vector<256x128xf32>
    %lt3A_185 = arith.cmpf olt, %select_n3A_184, %select_n3A_162 : vector<256x128xf32>
    %select_n3A_186 = arith.select %lt3A_185, %select_n3A_184, %select_n3A_162 : vector<256x128xi1>, vector<256x128xf32>
    %jit3A_187 = arith.constant 7 : i32
    %broadcast_in_dim3A_188 = vector.broadcast %jit3A_187 : i32 to vector<256x128xi32>
    %select_n3A_189 = arith.select %lt3A_185, %broadcast_in_dim3A_188, %select_n3A_165 : vector<256x128xi1>, vector<256x128xi32>
    %get3A_190 = arith.constant 0 : index
    %get3A_191 = arith.constant 1024 : index
    %get3A_192 = vector.load %arg4[%get3A_190, %get3A_191] : memref<1x8192xf32, #tpu.memory_space<vmem>>, vector<1x128xf32>
    %add3A_193 = vector.broadcast %get3A_4 : vector<256x1xf32> to vector<256x128xf32>
    %add3A_194 = vector.broadcast %get3A_192 : vector<1x128xf32> to vector<256x128xf32>
    %add3A_195 = arith.addf %add3A_193, %add3A_194 : vector<256x128xf32>
    %slice3A_196 = vector.extract_strided_slice %dot_general3A_10 {offsets = [0, 1024], sizes = [256, 128], strides = [1, 1]} : vector<256x2816xf32> to vector<256x128xf32>
    %sub3A_197 = arith.subf %add3A_195, %slice3A_196 : vector<256x128xf32>
    %max3A_198 = arith.constant 0.000000e+00 : f32
    %max3A_199 = vector.broadcast %max3A_198 : f32 to vector<256x128xf32>
    %max3A_200 = arith.maximumf %sub3A_197, %max3A_199 : vector<256x128xf32>
    %eq3A_201 = arith.constant 0.000000e+00 : f32
    %eq3A_202 = vector.broadcast %eq3A_201 : f32 to vector<256x128xf32>
    %eq3A_203 = arith.cmpf oeq, %max3A_200, %eq3A_202 : vector<256x128xf32>
    %rsqrt3A_204 = math.rsqrt %max3A_200 : vector<256x128xf32>
    %mul3A_205 = arith.mulf %max3A_200, %rsqrt3A_204 : vector<256x128xf32>
    %jit3A_206 = arith.constant 0.000000e+00 : f32
    %broadcast_in_dim3A_207 = vector.broadcast %jit3A_206 : f32 to vector<256x128xf32>
    %select_n3A_208 = arith.select %eq3A_203, %broadcast_in_dim3A_207, %mul3A_205 : vector<256x128xi1>, vector<256x128xf32>
    %lt3A_209 = arith.cmpf olt, %select_n3A_208, %select_n3A_186 : vector<256x128xf32>
    %select_n3A_210 = arith.select %lt3A_209, %select_n3A_208, %select_n3A_186 : vector<256x128xi1>, vector<256x128xf32>
    %jit3A_211 = arith.constant 8 : i32
    %broadcast_in_dim3A_212 = vector.broadcast %jit3A_211 : i32 to vector<256x128xi32>
    %select_n3A_213 = arith.select %lt3A_209, %broadcast_in_dim3A_212, %select_n3A_189 : vector<256x128xi1>, vector<256x128xi32>
    %get3A_214 = arith.constant 0 : index
    %get3A_215 = arith.constant 1152 : index
    %get3A_216 = vector.load %arg4[%get3A_214, %get3A_215] : memref<1x8192xf32, #tpu.memory_space<vmem>>, vector<1x128xf32>
    %add3A_217 = vector.broadcast %get3A_4 : vector<256x1xf32> to vector<256x128xf32>
    %add3A_218 = vector.broadcast %get3A_216 : vector<1x128xf32> to vector<256x128xf32>
    %add3A_219 = arith.addf %add3A_217, %add3A_218 : vector<256x128xf32>
    %slice3A_220 = vector.extract_strided_slice %dot_general3A_10 {offsets = [0, 1152], sizes = [256, 128], strides = [1, 1]} : vector<256x2816xf32> to vector<256x128xf32>
    %sub3A_221 = arith.subf %add3A_219, %slice3A_220 : vector<256x128xf32>
    %max3A_222 = arith.constant 0.000000e+00 : f32
    %max3A_223 = vector.broadcast %max3A_222 : f32 to vector<256x128xf32>
    %max3A_224 = arith.maximumf %sub3A_221, %max3A_223 : vector<256x128xf32>
    %eq3A_225 = arith.constant 0.000000e+00 : f32
    %eq3A_226 = vector.broadcast %eq3A_225 : f32 to vector<256x128xf32>
    %eq3A_227 = arith.cmpf oeq, %max3A_224, %eq3A_226 : vector<256x128xf32>
    %rsqrt3A_228 = math.rsqrt %max3A_224 : vector<256x128xf32>
    %mul3A_229 = arith.mulf %max3A_224, %rsqrt3A_228 : vector<256x128xf32>
    %jit3A_230 = arith.constant 0.000000e+00 : f32
    %broadcast_in_dim3A_231 = vector.broadcast %jit3A_230 : f32 to vector<256x128xf32>
    %select_n3A_232 = arith.select %eq3A_227, %broadcast_in_dim3A_231, %mul3A_229 : vector<256x128xi1>, vector<256x128xf32>
    %lt3A_233 = arith.cmpf olt, %select_n3A_232, %select_n3A_210 : vector<256x128xf32>
    %select_n3A_234 = arith.select %lt3A_233, %select_n3A_232, %select_n3A_210 : vector<256x128xi1>, vector<256x128xf32>
    %jit3A_235 = arith.constant 9 : i32
    %broadcast_in_dim3A_236 = vector.broadcast %jit3A_235 : i32 to vector<256x128xi32>
    %select_n3A_237 = arith.select %lt3A_233, %broadcast_in_dim3A_236, %select_n3A_213 : vector<256x128xi1>, vector<256x128xi32>
    %get3A_238 = arith.constant 0 : index
    %get3A_239 = arith.constant 1280 : index
    %get3A_240 = vector.load %arg4[%get3A_238, %get3A_239] : memref<1x8192xf32, #tpu.memory_space<vmem>>, vector<1x128xf32>
    %add3A_241 = vector.broadcast %get3A_4 : vector<256x1xf32> to vector<256x128xf32>
    %add3A_242 = vector.broadcast %get3A_240 : vector<1x128xf32> to vector<256x128xf32>
    %add3A_243 = arith.addf %add3A_241, %add3A_242 : vector<256x128xf32>
    %slice3A_244 = vector.extract_strided_slice %dot_general3A_10 {offsets = [0, 1280], sizes = [256, 128], strides = [1, 1]} : vector<256x2816xf32> to vector<256x128xf32>
    %sub3A_245 = arith.subf %add3A_243, %slice3A_244 : vector<256x128xf32>
    %max3A_246 = arith.constant 0.000000e+00 : f32
    %max3A_247 = vector.broadcast %max3A_246 : f32 to vector<256x128xf32>
    %max3A_248 = arith.maximumf %sub3A_245, %max3A_247 : vector<256x128xf32>
    %eq3A_249 = arith.constant 0.000000e+00 : f32
    %eq3A_250 = vector.broadcast %eq3A_249 : f32 to vector<256x128xf32>
    %eq3A_251 = arith.cmpf oeq, %max3A_248, %eq3A_250 : vector<256x128xf32>
    %rsqrt3A_252 = math.rsqrt %max3A_248 : vector<256x128xf32>
    %mul3A_253 = arith.mulf %max3A_248, %rsqrt3A_252 : vector<256x128xf32>
    %jit3A_254 = arith.constant 0.000000e+00 : f32
    %broadcast_in_dim3A_255 = vector.broadcast %jit3A_254 : f32 to vector<256x128xf32>
    %select_n3A_256 = arith.select %eq3A_251, %broadcast_in_dim3A_255, %mul3A_253 : vector<256x128xi1>, vector<256x128xf32>
    %lt3A_257 = arith.cmpf olt, %select_n3A_256, %select_n3A_234 : vector<256x128xf32>
    %select_n3A_258 = arith.select %lt3A_257, %select_n3A_256, %select_n3A_234 : vector<256x128xi1>, vector<256x128xf32>
    %jit3A_259 = arith.constant 10 : i32
    %broadcast_in_dim3A_260 = vector.broadcast %jit3A_259 : i32 to vector<256x128xi32>
    %select_n3A_261 = arith.select %lt3A_257, %broadcast_in_dim3A_260, %select_n3A_237 : vector<256x128xi1>, vector<256x128xi32>
    %get3A_262 = arith.constant 0 : index
    %get3A_263 = arith.constant 1408 : index
    %get3A_264 = vector.load %arg4[%get3A_262, %get3A_263] : memref<1x8192xf32, #tpu.memory_space<vmem>>, vector<1x128xf32>
    %add3A_265 = vector.broadcast %get3A_4 : vector<256x1xf32> to vector<256x128xf32>
    %add3A_266 = vector.broadcast %get3A_264 : vector<1x128xf32> to vector<256x128xf32>
    %add3A_267 = arith.addf %add3A_265, %add3A_266 : vector<256x128xf32>
    %slice3A_268 = vector.extract_strided_slice %dot_general3A_10 {offsets = [0, 1408], sizes = [256, 128], strides = [1, 1]} : vector<256x2816xf32> to vector<256x128xf32>
    %sub3A_269 = arith.subf %add3A_267, %slice3A_268 : vector<256x128xf32>
    %max3A_270 = arith.constant 0.000000e+00 : f32
    %max3A_271 = vector.broadcast %max3A_270 : f32 to vector<256x128xf32>
    %max3A_272 = arith.maximumf %sub3A_269, %max3A_271 : vector<256x128xf32>
    %eq3A_273 = arith.constant 0.000000e+00 : f32
    %eq3A_274 = vector.broadcast %eq3A_273 : f32 to vector<256x128xf32>
    %eq3A_275 = arith.cmpf oeq, %max3A_272, %eq3A_274 : vector<256x128xf32>
    %rsqrt3A_276 = math.rsqrt %max3A_272 : vector<256x128xf32>
    %mul3A_277 = arith.mulf %max3A_272, %rsqrt3A_276 : vector<256x128xf32>
    %jit3A_278 = arith.constant 0.000000e+00 : f32
    %broadcast_in_dim3A_279 = vector.broadcast %jit3A_278 : f32 to vector<256x128xf32>
    %select_n3A_280 = arith.select %eq3A_275, %broadcast_in_dim3A_279, %mul3A_277 : vector<256x128xi1>, vector<256x128xf32>
    %lt3A_281 = arith.cmpf olt, %select_n3A_280, %select_n3A_258 : vector<256x128xf32>
    %select_n3A_282 = arith.select %lt3A_281, %select_n3A_280, %select_n3A_258 : vector<256x128xi1>, vector<256x128xf32>
    %jit3A_283 = arith.constant 11 : i32
    %broadcast_in_dim3A_284 = vector.broadcast %jit3A_283 : i32 to vector<256x128xi32>
    %select_n3A_285 = arith.select %lt3A_281, %broadcast_in_dim3A_284, %select_n3A_261 : vector<256x128xi1>, vector<256x128xi32>
    %get3A_286 = arith.constant 0 : index
    %get3A_287 = arith.constant 1536 : index
    %get3A_288 = vector.load %arg4[%get3A_286, %get3A_287] : memref<1x8192xf32, #tpu.memory_space<vmem>>, vector<1x128xf32>
    %add3A_289 = vector.broadcast %get3A_4 : vector<256x1xf32> to vector<256x128xf32>
    %add3A_290 = vector.broadcast %get3A_288 : vector<1x128xf32> to vector<256x128xf32>
    %add3A_291 = arith.addf %add3A_289, %add3A_290 : vector<256x128xf32>
    %slice3A_292 = vector.extract_strided_slice %dot_general3A_10 {offsets = [0, 1536], sizes = [256, 128], strides = [1, 1]} : vector<256x2816xf32> to vector<256x128xf32>
    %sub3A_293 = arith.subf %add3A_291, %slice3A_292 : vector<256x128xf32>
    %max3A_294 = arith.constant 0.000000e+00 : f32
    %max3A_295 = vector.broadcast %max3A_294 : f32 to vector<256x128xf32>
    %max3A_296 = arith.maximumf %sub3A_293, %max3A_295 : vector<256x128xf32>
    %eq3A_297 = arith.constant 0.000000e+00 : f32
    %eq3A_298 = vector.broadcast %eq3A_297 : f32 to vector<256x128xf32>
    %eq3A_299 = arith.cmpf oeq, %max3A_296, %eq3A_298 : vector<256x128xf32>
    %rsqrt3A_300 = math.rsqrt %max3A_296 : vector<256x128xf32>
    %mul3A_301 = arith.mulf %max3A_296, %rsqrt3A_300 : vector<256x128xf32>
    %jit3A_302 = arith.constant 0.000000e+00 : f32
    %broadcast_in_dim3A_303 = vector.broadcast %jit3A_302 : f32 to vector<256x128xf32>
    %select_n3A_304 = arith.select %eq3A_299, %broadcast_in_dim3A_303, %mul3A_301 : vector<256x128xi1>, vector<256x128xf32>
    %lt3A_305 = arith.cmpf olt, %select_n3A_304, %select_n3A_282 : vector<256x128xf32>
    %select_n3A_306 = arith.select %lt3A_305, %select_n3A_304, %select_n3A_282 : vector<256x128xi1>, vector<256x128xf32>
    %jit3A_307 = arith.constant 12 : i32
    %broadcast_in_dim3A_308 = vector.broadcast %jit3A_307 : i32 to vector<256x128xi32>
    %select_n3A_309 = arith.select %lt3A_305, %broadcast_in_dim3A_308, %select_n3A_285 : vector<256x128xi1>, vector<256x128xi32>
    %get3A_310 = arith.constant 0 : index
    %get3A_311 = arith.constant 1664 : index
    %get3A_312 = vector.load %arg4[%get3A_310, %get3A_311] : memref<1x8192xf32, #tpu.memory_space<vmem>>, vector<1x128xf32>
    %add3A_313 = vector.broadcast %get3A_4 : vector<256x1xf32> to vector<256x128xf32>
    %add3A_314 = vector.broadcast %get3A_312 : vector<1x128xf32> to vector<256x128xf32>
    %add3A_315 = arith.addf %add3A_313, %add3A_314 : vector<256x128xf32>
    %slice3A_316 = vector.extract_strided_slice %dot_general3A_10 {offsets = [0, 1664], sizes = [256, 128], strides = [1, 1]} : vector<256x2816xf32> to vector<256x128xf32>
    %sub3A_317 = arith.subf %add3A_315, %slice3A_316 : vector<256x128xf32>
    %max3A_318 = arith.constant 0.000000e+00 : f32
    %max3A_319 = vector.broadcast %max3A_318 : f32 to vector<256x128xf32>
    %max3A_320 = arith.maximumf %sub3A_317, %max3A_319 : vector<256x128xf32>
    %eq3A_321 = arith.constant 0.000000e+00 : f32
    %eq3A_322 = vector.broadcast %eq3A_321 : f32 to vector<256x128xf32>
    %eq3A_323 = arith.cmpf oeq, %max3A_320, %eq3A_322 : vector<256x128xf32>
    %rsqrt3A_324 = math.rsqrt %max3A_320 : vector<256x128xf32>
    %mul3A_325 = arith.mulf %max3A_320, %rsqrt3A_324 : vector<256x128xf32>
    %jit3A_326 = arith.constant 0.000000e+00 : f32
    %broadcast_in_dim3A_327 = vector.broadcast %jit3A_326 : f32 to vector<256x128xf32>
    %select_n3A_328 = arith.select %eq3A_323, %broadcast_in_dim3A_327, %mul3A_325 : vector<256x128xi1>, vector<256x128xf32>
    %lt3A_329 = arith.cmpf olt, %select_n3A_328, %select_n3A_306 : vector<256x128xf32>
    %select_n3A_330 = arith.select %lt3A_329, %select_n3A_328, %select_n3A_306 : vector<256x128xi1>, vector<256x128xf32>
    %jit3A_331 = arith.constant 13 : i32
    %broadcast_in_dim3A_332 = vector.broadcast %jit3A_331 : i32 to vector<256x128xi32>
    %select_n3A_333 = arith.select %lt3A_329, %broadcast_in_dim3A_332, %select_n3A_309 : vector<256x128xi1>, vector<256x128xi32>
    %get3A_334 = arith.constant 0 : index
    %get3A_335 = arith.constant 1792 : index
    %get3A_336 = vector.load %arg4[%get3A_334, %get3A_335] : memref<1x8192xf32, #tpu.memory_space<vmem>>, vector<1x128xf32>
    %add3A_337 = vector.broadcast %get3A_4 : vector<256x1xf32> to vector<256x128xf32>
    %add3A_338 = vector.broadcast %get3A_336 : vector<1x128xf32> to vector<256x128xf32>
    %add3A_339 = arith.addf %add3A_337, %add3A_338 : vector<256x128xf32>
    %slice3A_340 = vector.extract_strided_slice %dot_general3A_10 {offsets = [0, 1792], sizes = [256, 128], strides = [1, 1]} : vector<256x2816xf32> to vector<256x128xf32>
    %sub3A_341 = arith.subf %add3A_339, %slice3A_340 : vector<256x128xf32>
    %max3A_342 = arith.constant 0.000000e+00 : f32
    %max3A_343 = vector.broadcast %max3A_342 : f32 to vector<256x128xf32>
    %max3A_344 = arith.maximumf %sub3A_341, %max3A_343 : vector<256x128xf32>
    %eq3A_345 = arith.constant 0.000000e+00 : f32
    %eq3A_346 = vector.broadcast %eq3A_345 : f32 to vector<256x128xf32>
    %eq3A_347 = arith.cmpf oeq, %max3A_344, %eq3A_346 : vector<256x128xf32>
    %rsqrt3A_348 = math.rsqrt %max3A_344 : vector<256x128xf32>
    %mul3A_349 = arith.mulf %max3A_344, %rsqrt3A_348 : vector<256x128xf32>
    %jit3A_350 = arith.constant 0.000000e+00 : f32
    %broadcast_in_dim3A_351 = vector.broadcast %jit3A_350 : f32 to vector<256x128xf32>
    %select_n3A_352 = arith.select %eq3A_347, %broadcast_in_dim3A_351, %mul3A_349 : vector<256x128xi1>, vector<256x128xf32>
    %lt3A_353 = arith.cmpf olt, %select_n3A_352, %select_n3A_330 : vector<256x128xf32>
    %select_n3A_354 = arith.select %lt3A_353, %select_n3A_352, %select_n3A_330 : vector<256x128xi1>, vector<256x128xf32>
    %jit3A_355 = arith.constant 14 : i32
    %broadcast_in_dim3A_356 = vector.broadcast %jit3A_355 : i32 to vector<256x128xi32>
    %select_n3A_357 = arith.select %lt3A_353, %broadcast_in_dim3A_356, %select_n3A_333 : vector<256x128xi1>, vector<256x128xi32>
    %get3A_358 = arith.constant 0 : index
    %get3A_359 = arith.constant 1920 : index
    %get3A_360 = vector.load %arg4[%get3A_358, %get3A_359] : memref<1x8192xf32, #tpu.memory_space<vmem>>, vector<1x128xf32>
    %add3A_361 = vector.broadcast %get3A_4 : vector<256x1xf32> to vector<256x128xf32>
    %add3A_362 = vector.broadcast %get3A_360 : vector<1x128xf32> to vector<256x128xf32>
    %add3A_363 = arith.addf %add3A_361, %add3A_362 : vector<256x128xf32>
    %slice3A_364 = vector.extract_strided_slice %dot_general3A_10 {offsets = [0, 1920], sizes = [256, 128], strides = [1, 1]} : vector<256x2816xf32> to vector<256x128xf32>
    %sub3A_365 = arith.subf %add3A_363, %slice3A_364 : vector<256x128xf32>
    %max3A_366 = arith.constant 0.000000e+00 : f32
    %max3A_367 = vector.broadcast %max3A_366 : f32 to vector<256x128xf32>
    %max3A_368 = arith.maximumf %sub3A_365, %max3A_367 : vector<256x128xf32>
    %eq3A_369 = arith.constant 0.000000e+00 : f32
    %eq3A_370 = vector.broadcast %eq3A_369 : f32 to vector<256x128xf32>
    %eq3A_371 = arith.cmpf oeq, %max3A_368, %eq3A_370 : vector<256x128xf32>
    %rsqrt3A_372 = math.rsqrt %max3A_368 : vector<256x128xf32>
    %mul3A_373 = arith.mulf %max3A_368, %rsqrt3A_372 : vector<256x128xf32>
    %jit3A_374 = arith.constant 0.000000e+00 : f32
    %broadcast_in_dim3A_375 = vector.broadcast %jit3A_374 : f32 to vector<256x128xf32>
    %select_n3A_376 = arith.select %eq3A_371, %broadcast_in_dim3A_375, %mul3A_373 : vector<256x128xi1>, vector<256x128xf32>
    %lt3A_377 = arith.cmpf olt, %select_n3A_376, %select_n3A_354 : vector<256x128xf32>
    %select_n3A_378 = arith.select %lt3A_377, %select_n3A_376, %select_n3A_354 : vector<256x128xi1>, vector<256x128xf32>
    %jit3A_379 = arith.constant 15 : i32
    %broadcast_in_dim3A_380 = vector.broadcast %jit3A_379 : i32 to vector<256x128xi32>
    %select_n3A_381 = arith.select %lt3A_377, %broadcast_in_dim3A_380, %select_n3A_357 : vector<256x128xi1>, vector<256x128xi32>
    %get3A_382 = arith.constant 0 : index
    %get3A_383 = arith.constant 2048 : index
    %get3A_384 = vector.load %arg4[%get3A_382, %get3A_383] : memref<1x8192xf32, #tpu.memory_space<vmem>>, vector<1x128xf32>
    %add3A_385 = vector.broadcast %get3A_4 : vector<256x1xf32> to vector<256x128xf32>
    %add3A_386 = vector.broadcast %get3A_384 : vector<1x128xf32> to vector<256x128xf32>
    %add3A_387 = arith.addf %add3A_385, %add3A_386 : vector<256x128xf32>
    %slice3A_388 = vector.extract_strided_slice %dot_general3A_10 {offsets = [0, 2048], sizes = [256, 128], strides = [1, 1]} : vector<256x2816xf32> to vector<256x128xf32>
    %sub3A_389 = arith.subf %add3A_387, %slice3A_388 : vector<256x128xf32>
    %max3A_390 = arith.constant 0.000000e+00 : f32
    %max3A_391 = vector.broadcast %max3A_390 : f32 to vector<256x128xf32>
    %max3A_392 = arith.maximumf %sub3A_389, %max3A_391 : vector<256x128xf32>
    %eq3A_393 = arith.constant 0.000000e+00 : f32
    %eq3A_394 = vector.broadcast %eq3A_393 : f32 to vector<256x128xf32>
    %eq3A_395 = arith.cmpf oeq, %max3A_392, %eq3A_394 : vector<256x128xf32>
    %rsqrt3A_396 = math.rsqrt %max3A_392 : vector<256x128xf32>
    %mul3A_397 = arith.mulf %max3A_392, %rsqrt3A_396 : vector<256x128xf32>
    %jit3A_398 = arith.constant 0.000000e+00 : f32
    %broadcast_in_dim3A_399 = vector.broadcast %jit3A_398 : f32 to vector<256x128xf32>
    %select_n3A_400 = arith.select %eq3A_395, %broadcast_in_dim3A_399, %mul3A_397 : vector<256x128xi1>, vector<256x128xf32>
    %lt3A_401 = arith.cmpf olt, %select_n3A_400, %select_n3A_378 : vector<256x128xf32>
    %select_n3A_402 = arith.select %lt3A_401, %select_n3A_400, %select_n3A_378 : vector<256x128xi1>, vector<256x128xf32>
    %jit3A_403 = arith.constant 16 : i32
    %broadcast_in_dim3A_404 = vector.broadcast %jit3A_403 : i32 to vector<256x128xi32>
    %select_n3A_405 = arith.select %lt3A_401, %broadcast_in_dim3A_404, %select_n3A_381 : vector<256x128xi1>, vector<256x128xi32>
    %get3A_406 = arith.constant 0 : index
    %get3A_407 = arith.constant 2176 : index
    %get3A_408 = vector.load %arg4[%get3A_406, %get3A_407] : memref<1x8192xf32, #tpu.memory_space<vmem>>, vector<1x128xf32>
    %add3A_409 = vector.broadcast %get3A_4 : vector<256x1xf32> to vector<256x128xf32>
    %add3A_410 = vector.broadcast %get3A_408 : vector<1x128xf32> to vector<256x128xf32>
    %add3A_411 = arith.addf %add3A_409, %add3A_410 : vector<256x128xf32>
    %slice3A_412 = vector.extract_strided_slice %dot_general3A_10 {offsets = [0, 2176], sizes = [256, 128], strides = [1, 1]} : vector<256x2816xf32> to vector<256x128xf32>
    %sub3A_413 = arith.subf %add3A_411, %slice3A_412 : vector<256x128xf32>
    %max3A_414 = arith.constant 0.000000e+00 : f32
    %max3A_415 = vector.broadcast %max3A_414 : f32 to vector<256x128xf32>
    %max3A_416 = arith.maximumf %sub3A_413, %max3A_415 : vector<256x128xf32>
    %eq3A_417 = arith.constant 0.000000e+00 : f32
    %eq3A_418 = vector.broadcast %eq3A_417 : f32 to vector<256x128xf32>
    %eq3A_419 = arith.cmpf oeq, %max3A_416, %eq3A_418 : vector<256x128xf32>
    %rsqrt3A_420 = math.rsqrt %max3A_416 : vector<256x128xf32>
    %mul3A_421 = arith.mulf %max3A_416, %rsqrt3A_420 : vector<256x128xf32>
    %jit3A_422 = arith.constant 0.000000e+00 : f32
    %broadcast_in_dim3A_423 = vector.broadcast %jit3A_422 : f32 to vector<256x128xf32>
    %select_n3A_424 = arith.select %eq3A_419, %broadcast_in_dim3A_423, %mul3A_421 : vector<256x128xi1>, vector<256x128xf32>
    %lt3A_425 = arith.cmpf olt, %select_n3A_424, %select_n3A_402 : vector<256x128xf32>
    %select_n3A_426 = arith.select %lt3A_425, %select_n3A_424, %select_n3A_402 : vector<256x128xi1>, vector<256x128xf32>
    %jit3A_427 = arith.constant 17 : i32
    %broadcast_in_dim3A_428 = vector.broadcast %jit3A_427 : i32 to vector<256x128xi32>
    %select_n3A_429 = arith.select %lt3A_425, %broadcast_in_dim3A_428, %select_n3A_405 : vector<256x128xi1>, vector<256x128xi32>
    %get3A_430 = arith.constant 0 : index
    %get3A_431 = arith.constant 2304 : index
    %get3A_432 = vector.load %arg4[%get3A_430, %get3A_431] : memref<1x8192xf32, #tpu.memory_space<vmem>>, vector<1x128xf32>
    %add3A_433 = vector.broadcast %get3A_4 : vector<256x1xf32> to vector<256x128xf32>
    %add3A_434 = vector.broadcast %get3A_432 : vector<1x128xf32> to vector<256x128xf32>
    %add3A_435 = arith.addf %add3A_433, %add3A_434 : vector<256x128xf32>
    %slice3A_436 = vector.extract_strided_slice %dot_general3A_10 {offsets = [0, 2304], sizes = [256, 128], strides = [1, 1]} : vector<256x2816xf32> to vector<256x128xf32>
    %sub3A_437 = arith.subf %add3A_435, %slice3A_436 : vector<256x128xf32>
    %max3A_438 = arith.constant 0.000000e+00 : f32
    %max3A_439 = vector.broadcast %max3A_438 : f32 to vector<256x128xf32>
    %max3A_440 = arith.maximumf %sub3A_437, %max3A_439 : vector<256x128xf32>
    %eq3A_441 = arith.constant 0.000000e+00 : f32
    %eq3A_442 = vector.broadcast %eq3A_441 : f32 to vector<256x128xf32>
    %eq3A_443 = arith.cmpf oeq, %max3A_440, %eq3A_442 : vector<256x128xf32>
    %rsqrt3A_444 = math.rsqrt %max3A_440 : vector<256x128xf32>
    %mul3A_445 = arith.mulf %max3A_440, %rsqrt3A_444 : vector<256x128xf32>
    %jit3A_446 = arith.constant 0.000000e+00 : f32
    %broadcast_in_dim3A_447 = vector.broadcast %jit3A_446 : f32 to vector<256x128xf32>
    %select_n3A_448 = arith.select %eq3A_443, %broadcast_in_dim3A_447, %mul3A_445 : vector<256x128xi1>, vector<256x128xf32>
    %lt3A_449 = arith.cmpf olt, %select_n3A_448, %select_n3A_426 : vector<256x128xf32>
    %select_n3A_450 = arith.select %lt3A_449, %select_n3A_448, %select_n3A_426 : vector<256x128xi1>, vector<256x128xf32>
    %jit3A_451 = arith.constant 18 : i32
    %broadcast_in_dim3A_452 = vector.broadcast %jit3A_451 : i32 to vector<256x128xi32>
    %select_n3A_453 = arith.select %lt3A_449, %broadcast_in_dim3A_452, %select_n3A_429 : vector<256x128xi1>, vector<256x128xi32>
    %get3A_454 = arith.constant 0 : index
    %get3A_455 = arith.constant 2432 : index
    %get3A_456 = vector.load %arg4[%get3A_454, %get3A_455] : memref<1x8192xf32, #tpu.memory_space<vmem>>, vector<1x128xf32>
    %add3A_457 = vector.broadcast %get3A_4 : vector<256x1xf32> to vector<256x128xf32>
    %add3A_458 = vector.broadcast %get3A_456 : vector<1x128xf32> to vector<256x128xf32>
    %add3A_459 = arith.addf %add3A_457, %add3A_458 : vector<256x128xf32>
    %slice3A_460 = vector.extract_strided_slice %dot_general3A_10 {offsets = [0, 2432], sizes = [256, 128], strides = [1, 1]} : vector<256x2816xf32> to vector<256x128xf32>
    %sub3A_461 = arith.subf %add3A_459, %slice3A_460 : vector<256x128xf32>
    %max3A_462 = arith.constant 0.000000e+00 : f32
    %max3A_463 = vector.broadcast %max3A_462 : f32 to vector<256x128xf32>
    %max3A_464 = arith.maximumf %sub3A_461, %max3A_463 : vector<256x128xf32>
    %eq3A_465 = arith.constant 0.000000e+00 : f32
    %eq3A_466 = vector.broadcast %eq3A_465 : f32 to vector<256x128xf32>
    %eq3A_467 = arith.cmpf oeq, %max3A_464, %eq3A_466 : vector<256x128xf32>
    %rsqrt3A_468 = math.rsqrt %max3A_464 : vector<256x128xf32>
    %mul3A_469 = arith.mulf %max3A_464, %rsqrt3A_468 : vector<256x128xf32>
    %jit3A_470 = arith.constant 0.000000e+00 : f32
    %broadcast_in_dim3A_471 = vector.broadcast %jit3A_470 : f32 to vector<256x128xf32>
    %select_n3A_472 = arith.select %eq3A_467, %broadcast_in_dim3A_471, %mul3A_469 : vector<256x128xi1>, vector<256x128xf32>
    %lt3A_473 = arith.cmpf olt, %select_n3A_472, %select_n3A_450 : vector<256x128xf32>
    %select_n3A_474 = arith.select %lt3A_473, %select_n3A_472, %select_n3A_450 : vector<256x128xi1>, vector<256x128xf32>
    %jit3A_475 = arith.constant 19 : i32
    %broadcast_in_dim3A_476 = vector.broadcast %jit3A_475 : i32 to vector<256x128xi32>
    %select_n3A_477 = arith.select %lt3A_473, %broadcast_in_dim3A_476, %select_n3A_453 : vector<256x128xi1>, vector<256x128xi32>
    %get3A_478 = arith.constant 0 : index
    %get3A_479 = arith.constant 2560 : index
    %get3A_480 = vector.load %arg4[%get3A_478, %get3A_479] : memref<1x8192xf32, #tpu.memory_space<vmem>>, vector<1x128xf32>
    %add3A_481 = vector.broadcast %get3A_4 : vector<256x1xf32> to vector<256x128xf32>
    %add3A_482 = vector.broadcast %get3A_480 : vector<1x128xf32> to vector<256x128xf32>
    %add3A_483 = arith.addf %add3A_481, %add3A_482 : vector<256x128xf32>
    %slice3A_484 = vector.extract_strided_slice %dot_general3A_10 {offsets = [0, 2560], sizes = [256, 128], strides = [1, 1]} : vector<256x2816xf32> to vector<256x128xf32>
    %sub3A_485 = arith.subf %add3A_483, %slice3A_484 : vector<256x128xf32>
    %max3A_486 = arith.constant 0.000000e+00 : f32
    %max3A_487 = vector.broadcast %max3A_486 : f32 to vector<256x128xf32>
    %max3A_488 = arith.maximumf %sub3A_485, %max3A_487 : vector<256x128xf32>
    %eq3A_489 = arith.constant 0.000000e+00 : f32
    %eq3A_490 = vector.broadcast %eq3A_489 : f32 to vector<256x128xf32>
    %eq3A_491 = arith.cmpf oeq, %max3A_488, %eq3A_490 : vector<256x128xf32>
    %rsqrt3A_492 = math.rsqrt %max3A_488 : vector<256x128xf32>
    %mul3A_493 = arith.mulf %max3A_488, %rsqrt3A_492 : vector<256x128xf32>
    %jit3A_494 = arith.constant 0.000000e+00 : f32
    %broadcast_in_dim3A_495 = vector.broadcast %jit3A_494 : f32 to vector<256x128xf32>
    %select_n3A_496 = arith.select %eq3A_491, %broadcast_in_dim3A_495, %mul3A_493 : vector<256x128xi1>, vector<256x128xf32>
    %lt3A_497 = arith.cmpf olt, %select_n3A_496, %select_n3A_474 : vector<256x128xf32>
    %select_n3A_498 = arith.select %lt3A_497, %select_n3A_496, %select_n3A_474 : vector<256x128xi1>, vector<256x128xf32>
    %jit3A_499 = arith.constant 20 : i32
    %broadcast_in_dim3A_500 = vector.broadcast %jit3A_499 : i32 to vector<256x128xi32>
    %select_n3A_501 = arith.select %lt3A_497, %broadcast_in_dim3A_500, %select_n3A_477 : vector<256x128xi1>, vector<256x128xi32>
    %get3A_502 = arith.constant 0 : index
    %get3A_503 = arith.constant 2688 : index
    %get3A_504 = vector.load %arg4[%get3A_502, %get3A_503] : memref<1x8192xf32, #tpu.memory_space<vmem>>, vector<1x128xf32>
    %add3A_505 = vector.broadcast %get3A_4 : vector<256x1xf32> to vector<256x128xf32>
    %add3A_506 = vector.broadcast %get3A_504 : vector<1x128xf32> to vector<256x128xf32>
    %add3A_507 = arith.addf %add3A_505, %add3A_506 : vector<256x128xf32>
    %slice3A_508 = vector.extract_strided_slice %dot_general3A_10 {offsets = [0, 2688], sizes = [256, 128], strides = [1, 1]} : vector<256x2816xf32> to vector<256x128xf32>
    %sub3A_509 = arith.subf %add3A_507, %slice3A_508 : vector<256x128xf32>
    %max3A_510 = arith.constant 0.000000e+00 : f32
    %max3A_511 = vector.broadcast %max3A_510 : f32 to vector<256x128xf32>
    %max3A_512 = arith.maximumf %sub3A_509, %max3A_511 : vector<256x128xf32>
    %eq3A_513 = arith.constant 0.000000e+00 : f32
    %eq3A_514 = vector.broadcast %eq3A_513 : f32 to vector<256x128xf32>
    %eq3A_515 = arith.cmpf oeq, %max3A_512, %eq3A_514 : vector<256x128xf32>
    %rsqrt3A_516 = math.rsqrt %max3A_512 : vector<256x128xf32>
    %mul3A_517 = arith.mulf %max3A_512, %rsqrt3A_516 : vector<256x128xf32>
    %jit3A_518 = arith.constant 0.000000e+00 : f32
    %broadcast_in_dim3A_519 = vector.broadcast %jit3A_518 : f32 to vector<256x128xf32>
    %select_n3A_520 = arith.select %eq3A_515, %broadcast_in_dim3A_519, %mul3A_517 : vector<256x128xi1>, vector<256x128xf32>
    %lt3A_521 = arith.cmpf olt, %select_n3A_520, %select_n3A_498 : vector<256x128xf32>
    %select_n3A_522 = arith.select %lt3A_521, %select_n3A_520, %select_n3A_498 : vector<256x128xi1>, vector<256x128xf32>
    %jit3A_523 = arith.constant 21 : i32
    %broadcast_in_dim3A_524 = vector.broadcast %jit3A_523 : i32 to vector<256x128xi32>
    %select_n3A_525 = arith.select %lt3A_521, %broadcast_in_dim3A_524, %select_n3A_501 : vector<256x128xi1>, vector<256x128xi32>
    %mul3A_526 = arith.constant 128 : i32
    %mul3A_527 = vector.broadcast %mul3A_526 : i32 to vector<256x128xi32>
    %mul3A_528 = arith.muli %select_n3A_525, %mul3A_527 : vector<256x128xi32>
    %add3A_529 = arith.constant 0 : i32
    %add3A_530 = vector.broadcast %add3A_529 : i32 to vector<256x128xi32>
    %add3A_531 = arith.addi %add3A_530, %mul3A_528 : vector<256x128xi32>
    %add3A_532 = arith.addi %add3A_531, %iota3A : vector<256x128xi32>
    %reduce_min3A = arith.constant dense<0x7F800000> : vector<256xf32>
    %reduce_min3A_533 = vector.multi_reduction <minimumf>, %select_n3A_522, %reduce_min3A [1] : vector<256x128xf32> to vector<256xf32>
    %broadcast_in_dim3A_534 = vector.shape_cast %reduce_min3A_533 : vector<256xf32> to vector<256x1xf32>
    %eq3A_535 = vector.broadcast %broadcast_in_dim3A_534 : vector<256x1xf32> to vector<256x128xf32>
    %eq3A_536 = arith.cmpf oeq, %select_n3A_522, %eq3A_535 : vector<256x128xf32>
    %jit3A_537 = arith.constant 8192 : i32
    %broadcast_in_dim3A_538 = vector.broadcast %jit3A_537 : i32 to vector<256x128xi32>
    %select_n3A_539 = arith.select %eq3A_536, %add3A_532, %broadcast_in_dim3A_538 : vector<256x128xi1>, vector<256x128xi32>
    %reduce_min3A_540 = arith.constant dense<2147483647> : vector<256xi32>
    %reduce_min3A_541 = vector.multi_reduction <minsi>, %select_n3A_539, %reduce_min3A_540 [1] : vector<256x128xi32> to vector<256xi32>
    %broadcast_in_dim3A_542 = vector.shape_cast %reduce_min3A_541 : vector<256xi32> to vector<256x1xi32>
    %bitcast_convert_type3A = tpu.bitcast %broadcast_in_dim3A_534 : vector<256x1xf32> -> vector<256x1xi32>
    %add3A_543 = arith.constant 32767 : i32
    %add3A_544 = vector.broadcast %add3A_543 : i32 to vector<256x1xi32>
    %add3A_545 = arith.addi %bitcast_convert_type3A, %add3A_544 : vector<256x1xi32>
    %shift_right_logical3A = arith.constant 16 : i32
    %shift_right_logical3A_546 = vector.broadcast %shift_right_logical3A : i32 to vector<256x1xi32>
    %shift_right_logical3A_547 = arith.shrui %bitcast_convert_type3A, %shift_right_logical3A_546 : vector<256x1xi32>
    %and3A = arith.constant 1 : i32
    %and3A_548 = vector.broadcast %and3A : i32 to vector<256x1xi32>
    %and3A_549 = arith.andi %shift_right_logical3A_547, %and3A_548 : vector<256x1xi32>
    %add3A_550 = arith.addi %add3A_545, %and3A_549 : vector<256x1xi32>
    %and3A_551 = arith.constant -65536 : i32
    %and3A_552 = vector.broadcast %and3A_551 : i32 to vector<256x1xi32>
    %and3A_553 = arith.andi %add3A_550, %and3A_552 : vector<256x1xi32>
    %bitcast_convert_type3A_554 = tpu.bitcast %and3A_553 : vector<256x1xi32> -> vector<256x1xf32>
    %get3A_555 = arith.constant 2816 : index
    %get3A_556 = arith.constant 0 : index
    %get3A_557 = vector.load %arg3[%get3A_555, %get3A_556] : memref<8192x256xbf16, #tpu.memory_space<vmem>>, vector<2816x256xbf16>
    %dot_general3A_558 = arith.constant dense<0.000000e+00> : vector<256x2816xf32>
    %dot_general3A_559 = tpu.matmul %convert_element_type3A, %get3A_557, %dot_general3A_558 {dimension_numbers = #tpu.dot_dimension_numbers<[1], [1], [0], [0], [0, 0, 1, 0], [], []>, transpose_lhs_hint = false} : vector<256x256xbf16>, vector<2816x256xbf16>, vector<256x2816xf32> -> vector<256x2816xf32>
    %broadcast_in_dim3A_560 = arith.constant 0 : i32
    %broadcast_in_dim3A_561 = vector.broadcast %broadcast_in_dim3A_560 : i32 to vector<256x128xi32>
    %get3A_562 = arith.constant 0 : index
    %get3A_563 = arith.constant 2816 : index
    %get3A_564 = vector.load %arg4[%get3A_562, %get3A_563] : memref<1x8192xf32, #tpu.memory_space<vmem>>, vector<1x128xf32>
    %add3A_565 = vector.broadcast %get3A_4 : vector<256x1xf32> to vector<256x128xf32>
    %add3A_566 = vector.broadcast %get3A_564 : vector<1x128xf32> to vector<256x128xf32>
    %add3A_567 = arith.addf %add3A_565, %add3A_566 : vector<256x128xf32>
    %slice3A_568 = vector.extract_strided_slice %dot_general3A_559 {offsets = [0, 0], sizes = [256, 128], strides = [1, 1]} : vector<256x2816xf32> to vector<256x128xf32>
    %sub3A_569 = arith.subf %add3A_567, %slice3A_568 : vector<256x128xf32>
    %max3A_570 = arith.constant 0.000000e+00 : f32
    %max3A_571 = vector.broadcast %max3A_570 : f32 to vector<256x128xf32>
    %max3A_572 = arith.maximumf %sub3A_569, %max3A_571 : vector<256x128xf32>
    %eq3A_573 = arith.constant 0.000000e+00 : f32
    %eq3A_574 = vector.broadcast %eq3A_573 : f32 to vector<256x128xf32>
    %eq3A_575 = arith.cmpf oeq, %max3A_572, %eq3A_574 : vector<256x128xf32>
    %rsqrt3A_576 = math.rsqrt %max3A_572 : vector<256x128xf32>
    %mul3A_577 = arith.mulf %max3A_572, %rsqrt3A_576 : vector<256x128xf32>
    %jit3A_578 = arith.constant 0.000000e+00 : f32
    %broadcast_in_dim3A_579 = vector.broadcast %jit3A_578 : f32 to vector<256x128xf32>
    %select_n3A_580 = arith.select %eq3A_575, %broadcast_in_dim3A_579, %mul3A_577 : vector<256x128xi1>, vector<256x128xf32>
    %get3A_581 = arith.constant 0 : index
    %get3A_582 = arith.constant 2944 : index
    %get3A_583 = vector.load %arg4[%get3A_581, %get3A_582] : memref<1x8192xf32, #tpu.memory_space<vmem>>, vector<1x128xf32>
    %add3A_584 = vector.broadcast %get3A_4 : vector<256x1xf32> to vector<256x128xf32>
    %add3A_585 = vector.broadcast %get3A_583 : vector<1x128xf32> to vector<256x128xf32>
    %add3A_586 = arith.addf %add3A_584, %add3A_585 : vector<256x128xf32>
    %slice3A_587 = vector.extract_strided_slice %dot_general3A_559 {offsets = [0, 128], sizes = [256, 128], strides = [1, 1]} : vector<256x2816xf32> to vector<256x128xf32>
    %sub3A_588 = arith.subf %add3A_586, %slice3A_587 : vector<256x128xf32>
    %max3A_589 = arith.constant 0.000000e+00 : f32
    %max3A_590 = vector.broadcast %max3A_589 : f32 to vector<256x128xf32>
    %max3A_591 = arith.maximumf %sub3A_588, %max3A_590 : vector<256x128xf32>
    %eq3A_592 = arith.constant 0.000000e+00 : f32
    %eq3A_593 = vector.broadcast %eq3A_592 : f32 to vector<256x128xf32>
    %eq3A_594 = arith.cmpf oeq, %max3A_591, %eq3A_593 : vector<256x128xf32>
    %rsqrt3A_595 = math.rsqrt %max3A_591 : vector<256x128xf32>
    %mul3A_596 = arith.mulf %max3A_591, %rsqrt3A_595 : vector<256x128xf32>
    %jit3A_597 = arith.constant 0.000000e+00 : f32
    %broadcast_in_dim3A_598 = vector.broadcast %jit3A_597 : f32 to vector<256x128xf32>
    %select_n3A_599 = arith.select %eq3A_594, %broadcast_in_dim3A_598, %mul3A_596 : vector<256x128xi1>, vector<256x128xf32>
    %lt3A_600 = arith.cmpf olt, %select_n3A_599, %select_n3A_580 : vector<256x128xf32>
    %select_n3A_601 = arith.select %lt3A_600, %select_n3A_599, %select_n3A_580 : vector<256x128xi1>, vector<256x128xf32>
    %jit3A_602 = arith.constant 1 : i32
    %broadcast_in_dim3A_603 = vector.broadcast %jit3A_602 : i32 to vector<256x128xi32>
    %select_n3A_604 = arith.select %lt3A_600, %broadcast_in_dim3A_603, %broadcast_in_dim3A_561 : vector<256x128xi1>, vector<256x128xi32>
    %get3A_605 = arith.constant 0 : index
    %get3A_606 = arith.constant 3072 : index
    %get3A_607 = vector.load %arg4[%get3A_605, %get3A_606] : memref<1x8192xf32, #tpu.memory_space<vmem>>, vector<1x128xf32>
    %add3A_608 = vector.broadcast %get3A_4 : vector<256x1xf32> to vector<256x128xf32>
    %add3A_609 = vector.broadcast %get3A_607 : vector<1x128xf32> to vector<256x128xf32>
    %add3A_610 = arith.addf %add3A_608, %add3A_609 : vector<256x128xf32>
    %slice3A_611 = vector.extract_strided_slice %dot_general3A_559 {offsets = [0, 256], sizes = [256, 128], strides = [1, 1]} : vector<256x2816xf32> to vector<256x128xf32>
    %sub3A_612 = arith.subf %add3A_610, %slice3A_611 : vector<256x128xf32>
    %max3A_613 = arith.constant 0.000000e+00 : f32
    %max3A_614 = vector.broadcast %max3A_613 : f32 to vector<256x128xf32>
    %max3A_615 = arith.maximumf %sub3A_612, %max3A_614 : vector<256x128xf32>
    %eq3A_616 = arith.constant 0.000000e+00 : f32
    %eq3A_617 = vector.broadcast %eq3A_616 : f32 to vector<256x128xf32>
    %eq3A_618 = arith.cmpf oeq, %max3A_615, %eq3A_617 : vector<256x128xf32>
    %rsqrt3A_619 = math.rsqrt %max3A_615 : vector<256x128xf32>
    %mul3A_620 = arith.mulf %max3A_615, %rsqrt3A_619 : vector<256x128xf32>
    %jit3A_621 = arith.constant 0.000000e+00 : f32
    %broadcast_in_dim3A_622 = vector.broadcast %jit3A_621 : f32 to vector<256x128xf32>
    %select_n3A_623 = arith.select %eq3A_618, %broadcast_in_dim3A_622, %mul3A_620 : vector<256x128xi1>, vector<256x128xf32>
    %lt3A_624 = arith.cmpf olt, %select_n3A_623, %select_n3A_601 : vector<256x128xf32>
    %select_n3A_625 = arith.select %lt3A_624, %select_n3A_623, %select_n3A_601 : vector<256x128xi1>, vector<256x128xf32>
    %jit3A_626 = arith.constant 2 : i32
    %broadcast_in_dim3A_627 = vector.broadcast %jit3A_626 : i32 to vector<256x128xi32>
    %select_n3A_628 = arith.select %lt3A_624, %broadcast_in_dim3A_627, %select_n3A_604 : vector<256x128xi1>, vector<256x128xi32>
    %get3A_629 = arith.constant 0 : index
    %get3A_630 = arith.constant 3200 : index
    %get3A_631 = vector.load %arg4[%get3A_629, %get3A_630] : memref<1x8192xf32, #tpu.memory_space<vmem>>, vector<1x128xf32>
    %add3A_632 = vector.broadcast %get3A_4 : vector<256x1xf32> to vector<256x128xf32>
    %add3A_633 = vector.broadcast %get3A_631 : vector<1x128xf32> to vector<256x128xf32>
    %add3A_634 = arith.addf %add3A_632, %add3A_633 : vector<256x128xf32>
    %slice3A_635 = vector.extract_strided_slice %dot_general3A_559 {offsets = [0, 384], sizes = [256, 128], strides = [1, 1]} : vector<256x2816xf32> to vector<256x128xf32>
    %sub3A_636 = arith.subf %add3A_634, %slice3A_635 : vector<256x128xf32>
    %max3A_637 = arith.constant 0.000000e+00 : f32
    %max3A_638 = vector.broadcast %max3A_637 : f32 to vector<256x128xf32>
    %max3A_639 = arith.maximumf %sub3A_636, %max3A_638 : vector<256x128xf32>
    %eq3A_640 = arith.constant 0.000000e+00 : f32
    %eq3A_641 = vector.broadcast %eq3A_640 : f32 to vector<256x128xf32>
    %eq3A_642 = arith.cmpf oeq, %max3A_639, %eq3A_641 : vector<256x128xf32>
    %rsqrt3A_643 = math.rsqrt %max3A_639 : vector<256x128xf32>
    %mul3A_644 = arith.mulf %max3A_639, %rsqrt3A_643 : vector<256x128xf32>
    %jit3A_645 = arith.constant 0.000000e+00 : f32
    %broadcast_in_dim3A_646 = vector.broadcast %jit3A_645 : f32 to vector<256x128xf32>
    %select_n3A_647 = arith.select %eq3A_642, %broadcast_in_dim3A_646, %mul3A_644 : vector<256x128xi1>, vector<256x128xf32>
    %lt3A_648 = arith.cmpf olt, %select_n3A_647, %select_n3A_625 : vector<256x128xf32>
    %select_n3A_649 = arith.select %lt3A_648, %select_n3A_647, %select_n3A_625 : vector<256x128xi1>, vector<256x128xf32>
    %jit3A_650 = arith.constant 3 : i32
    %broadcast_in_dim3A_651 = vector.broadcast %jit3A_650 : i32 to vector<256x128xi32>
    %select_n3A_652 = arith.select %lt3A_648, %broadcast_in_dim3A_651, %select_n3A_628 : vector<256x128xi1>, vector<256x128xi32>
    %get3A_653 = arith.constant 0 : index
    %get3A_654 = arith.constant 3328 : index
    %get3A_655 = vector.load %arg4[%get3A_653, %get3A_654] : memref<1x8192xf32, #tpu.memory_space<vmem>>, vector<1x128xf32>
    %add3A_656 = vector.broadcast %get3A_4 : vector<256x1xf32> to vector<256x128xf32>
    %add3A_657 = vector.broadcast %get3A_655 : vector<1x128xf32> to vector<256x128xf32>
    %add3A_658 = arith.addf %add3A_656, %add3A_657 : vector<256x128xf32>
    %slice3A_659 = vector.extract_strided_slice %dot_general3A_559 {offsets = [0, 512], sizes = [256, 128], strides = [1, 1]} : vector<256x2816xf32> to vector<256x128xf32>
    %sub3A_660 = arith.subf %add3A_658, %slice3A_659 : vector<256x128xf32>
    %max3A_661 = arith.constant 0.000000e+00 : f32
    %max3A_662 = vector.broadcast %max3A_661 : f32 to vector<256x128xf32>
    %max3A_663 = arith.maximumf %sub3A_660, %max3A_662 : vector<256x128xf32>
    %eq3A_664 = arith.constant 0.000000e+00 : f32
    %eq3A_665 = vector.broadcast %eq3A_664 : f32 to vector<256x128xf32>
    %eq3A_666 = arith.cmpf oeq, %max3A_663, %eq3A_665 : vector<256x128xf32>
    %rsqrt3A_667 = math.rsqrt %max3A_663 : vector<256x128xf32>
    %mul3A_668 = arith.mulf %max3A_663, %rsqrt3A_667 : vector<256x128xf32>
    %jit3A_669 = arith.constant 0.000000e+00 : f32
    %broadcast_in_dim3A_670 = vector.broadcast %jit3A_669 : f32 to vector<256x128xf32>
    %select_n3A_671 = arith.select %eq3A_666, %broadcast_in_dim3A_670, %mul3A_668 : vector<256x128xi1>, vector<256x128xf32>
    %lt3A_672 = arith.cmpf olt, %select_n3A_671, %select_n3A_649 : vector<256x128xf32>
    %select_n3A_673 = arith.select %lt3A_672, %select_n3A_671, %select_n3A_649 : vector<256x128xi1>, vector<256x128xf32>
    %jit3A_674 = arith.constant 4 : i32
    %broadcast_in_dim3A_675 = vector.broadcast %jit3A_674 : i32 to vector<256x128xi32>
    %select_n3A_676 = arith.select %lt3A_672, %broadcast_in_dim3A_675, %select_n3A_652 : vector<256x128xi1>, vector<256x128xi32>
    %get3A_677 = arith.constant 0 : index
    %get3A_678 = arith.constant 3456 : index
    %get3A_679 = vector.load %arg4[%get3A_677, %get3A_678] : memref<1x8192xf32, #tpu.memory_space<vmem>>, vector<1x128xf32>
    %add3A_680 = vector.broadcast %get3A_4 : vector<256x1xf32> to vector<256x128xf32>
    %add3A_681 = vector.broadcast %get3A_679 : vector<1x128xf32> to vector<256x128xf32>
    %add3A_682 = arith.addf %add3A_680, %add3A_681 : vector<256x128xf32>
    %slice3A_683 = vector.extract_strided_slice %dot_general3A_559 {offsets = [0, 640], sizes = [256, 128], strides = [1, 1]} : vector<256x2816xf32> to vector<256x128xf32>
    %sub3A_684 = arith.subf %add3A_682, %slice3A_683 : vector<256x128xf32>
    %max3A_685 = arith.constant 0.000000e+00 : f32
    %max3A_686 = vector.broadcast %max3A_685 : f32 to vector<256x128xf32>
    %max3A_687 = arith.maximumf %sub3A_684, %max3A_686 : vector<256x128xf32>
    %eq3A_688 = arith.constant 0.000000e+00 : f32
    %eq3A_689 = vector.broadcast %eq3A_688 : f32 to vector<256x128xf32>
    %eq3A_690 = arith.cmpf oeq, %max3A_687, %eq3A_689 : vector<256x128xf32>
    %rsqrt3A_691 = math.rsqrt %max3A_687 : vector<256x128xf32>
    %mul3A_692 = arith.mulf %max3A_687, %rsqrt3A_691 : vector<256x128xf32>
    %jit3A_693 = arith.constant 0.000000e+00 : f32
    %broadcast_in_dim3A_694 = vector.broadcast %jit3A_693 : f32 to vector<256x128xf32>
    %select_n3A_695 = arith.select %eq3A_690, %broadcast_in_dim3A_694, %mul3A_692 : vector<256x128xi1>, vector<256x128xf32>
    %lt3A_696 = arith.cmpf olt, %select_n3A_695, %select_n3A_673 : vector<256x128xf32>
    %select_n3A_697 = arith.select %lt3A_696, %select_n3A_695, %select_n3A_673 : vector<256x128xi1>, vector<256x128xf32>
    %jit3A_698 = arith.constant 5 : i32
    %broadcast_in_dim3A_699 = vector.broadcast %jit3A_698 : i32 to vector<256x128xi32>
    %select_n3A_700 = arith.select %lt3A_696, %broadcast_in_dim3A_699, %select_n3A_676 : vector<256x128xi1>, vector<256x128xi32>
    %get3A_701 = arith.constant 0 : index
    %get3A_702 = arith.constant 3584 : index
    %get3A_703 = vector.load %arg4[%get3A_701, %get3A_702] : memref<1x8192xf32, #tpu.memory_space<vmem>>, vector<1x128xf32>
    %add3A_704 = vector.broadcast %get3A_4 : vector<256x1xf32> to vector<256x128xf32>
    %add3A_705 = vector.broadcast %get3A_703 : vector<1x128xf32> to vector<256x128xf32>
    %add3A_706 = arith.addf %add3A_704, %add3A_705 : vector<256x128xf32>
    %slice3A_707 = vector.extract_strided_slice %dot_general3A_559 {offsets = [0, 768], sizes = [256, 128], strides = [1, 1]} : vector<256x2816xf32> to vector<256x128xf32>
    %sub3A_708 = arith.subf %add3A_706, %slice3A_707 : vector<256x128xf32>
    %max3A_709 = arith.constant 0.000000e+00 : f32
    %max3A_710 = vector.broadcast %max3A_709 : f32 to vector<256x128xf32>
    %max3A_711 = arith.maximumf %sub3A_708, %max3A_710 : vector<256x128xf32>
    %eq3A_712 = arith.constant 0.000000e+00 : f32
    %eq3A_713 = vector.broadcast %eq3A_712 : f32 to vector<256x128xf32>
    %eq3A_714 = arith.cmpf oeq, %max3A_711, %eq3A_713 : vector<256x128xf32>
    %rsqrt3A_715 = math.rsqrt %max3A_711 : vector<256x128xf32>
    %mul3A_716 = arith.mulf %max3A_711, %rsqrt3A_715 : vector<256x128xf32>
    %jit3A_717 = arith.constant 0.000000e+00 : f32
    %broadcast_in_dim3A_718 = vector.broadcast %jit3A_717 : f32 to vector<256x128xf32>
    %select_n3A_719 = arith.select %eq3A_714, %broadcast_in_dim3A_718, %mul3A_716 : vector<256x128xi1>, vector<256x128xf32>
    %lt3A_720 = arith.cmpf olt, %select_n3A_719, %select_n3A_697 : vector<256x128xf32>
    %select_n3A_721 = arith.select %lt3A_720, %select_n3A_719, %select_n3A_697 : vector<256x128xi1>, vector<256x128xf32>
    %jit3A_722 = arith.constant 6 : i32
    %broadcast_in_dim3A_723 = vector.broadcast %jit3A_722 : i32 to vector<256x128xi32>
    %select_n3A_724 = arith.select %lt3A_720, %broadcast_in_dim3A_723, %select_n3A_700 : vector<256x128xi1>, vector<256x128xi32>
    %get3A_725 = arith.constant 0 : index
    %get3A_726 = arith.constant 3712 : index
    %get3A_727 = vector.load %arg4[%get3A_725, %get3A_726] : memref<1x8192xf32, #tpu.memory_space<vmem>>, vector<1x128xf32>
    %add3A_728 = vector.broadcast %get3A_4 : vector<256x1xf32> to vector<256x128xf32>
    %add3A_729 = vector.broadcast %get3A_727 : vector<1x128xf32> to vector<256x128xf32>
    %add3A_730 = arith.addf %add3A_728, %add3A_729 : vector<256x128xf32>
    %slice3A_731 = vector.extract_strided_slice %dot_general3A_559 {offsets = [0, 896], sizes = [256, 128], strides = [1, 1]} : vector<256x2816xf32> to vector<256x128xf32>
    %sub3A_732 = arith.subf %add3A_730, %slice3A_731 : vector<256x128xf32>
    %max3A_733 = arith.constant 0.000000e+00 : f32
    %max3A_734 = vector.broadcast %max3A_733 : f32 to vector<256x128xf32>
    %max3A_735 = arith.maximumf %sub3A_732, %max3A_734 : vector<256x128xf32>
    %eq3A_736 = arith.constant 0.000000e+00 : f32
    %eq3A_737 = vector.broadcast %eq3A_736 : f32 to vector<256x128xf32>
    %eq3A_738 = arith.cmpf oeq, %max3A_735, %eq3A_737 : vector<256x128xf32>
    %rsqrt3A_739 = math.rsqrt %max3A_735 : vector<256x128xf32>
    %mul3A_740 = arith.mulf %max3A_735, %rsqrt3A_739 : vector<256x128xf32>
    %jit3A_741 = arith.constant 0.000000e+00 : f32
    %broadcast_in_dim3A_742 = vector.broadcast %jit3A_741 : f32 to vector<256x128xf32>
    %select_n3A_743 = arith.select %eq3A_738, %broadcast_in_dim3A_742, %mul3A_740 : vector<256x128xi1>, vector<256x128xf32>
    %lt3A_744 = arith.cmpf olt, %select_n3A_743, %select_n3A_721 : vector<256x128xf32>
    %select_n3A_745 = arith.select %lt3A_744, %select_n3A_743, %select_n3A_721 : vector<256x128xi1>, vector<256x128xf32>
    %jit3A_746 = arith.constant 7 : i32
    %broadcast_in_dim3A_747 = vector.broadcast %jit3A_746 : i32 to vector<256x128xi32>
    %select_n3A_748 = arith.select %lt3A_744, %broadcast_in_dim3A_747, %select_n3A_724 : vector<256x128xi1>, vector<256x128xi32>
    %get3A_749 = arith.constant 0 : index
    %get3A_750 = arith.constant 3840 : index
    %get3A_751 = vector.load %arg4[%get3A_749, %get3A_750] : memref<1x8192xf32, #tpu.memory_space<vmem>>, vector<1x128xf32>
    %add3A_752 = vector.broadcast %get3A_4 : vector<256x1xf32> to vector<256x128xf32>
    %add3A_753 = vector.broadcast %get3A_751 : vector<1x128xf32> to vector<256x128xf32>
    %add3A_754 = arith.addf %add3A_752, %add3A_753 : vector<256x128xf32>
    %slice3A_755 = vector.extract_strided_slice %dot_general3A_559 {offsets = [0, 1024], sizes = [256, 128], strides = [1, 1]} : vector<256x2816xf32> to vector<256x128xf32>
    %sub3A_756 = arith.subf %add3A_754, %slice3A_755 : vector<256x128xf32>
    %max3A_757 = arith.constant 0.000000e+00 : f32
    %max3A_758 = vector.broadcast %max3A_757 : f32 to vector<256x128xf32>
    %max3A_759 = arith.maximumf %sub3A_756, %max3A_758 : vector<256x128xf32>
    %eq3A_760 = arith.constant 0.000000e+00 : f32
    %eq3A_761 = vector.broadcast %eq3A_760 : f32 to vector<256x128xf32>
    %eq3A_762 = arith.cmpf oeq, %max3A_759, %eq3A_761 : vector<256x128xf32>
    %rsqrt3A_763 = math.rsqrt %max3A_759 : vector<256x128xf32>
    %mul3A_764 = arith.mulf %max3A_759, %rsqrt3A_763 : vector<256x128xf32>
    %jit3A_765 = arith.constant 0.000000e+00 : f32
    %broadcast_in_dim3A_766 = vector.broadcast %jit3A_765 : f32 to vector<256x128xf32>
    %select_n3A_767 = arith.select %eq3A_762, %broadcast_in_dim3A_766, %mul3A_764 : vector<256x128xi1>, vector<256x128xf32>
    %lt3A_768 = arith.cmpf olt, %select_n3A_767, %select_n3A_745 : vector<256x128xf32>
    %select_n3A_769 = arith.select %lt3A_768, %select_n3A_767, %select_n3A_745 : vector<256x128xi1>, vector<256x128xf32>
    %jit3A_770 = arith.constant 8 : i32
    %broadcast_in_dim3A_771 = vector.broadcast %jit3A_770 : i32 to vector<256x128xi32>
    %select_n3A_772 = arith.select %lt3A_768, %broadcast_in_dim3A_771, %select_n3A_748 : vector<256x128xi1>, vector<256x128xi32>
    %get3A_773 = arith.constant 0 : index
    %get3A_774 = arith.constant 3968 : index
    %get3A_775 = vector.load %arg4[%get3A_773, %get3A_774] : memref<1x8192xf32, #tpu.memory_space<vmem>>, vector<1x128xf32>
    %add3A_776 = vector.broadcast %get3A_4 : vector<256x1xf32> to vector<256x128xf32>
    %add3A_777 = vector.broadcast %get3A_775 : vector<1x128xf32> to vector<256x128xf32>
    %add3A_778 = arith.addf %add3A_776, %add3A_777 : vector<256x128xf32>
    %slice3A_779 = vector.extract_strided_slice %dot_general3A_559 {offsets = [0, 1152], sizes = [256, 128], strides = [1, 1]} : vector<256x2816xf32> to vector<256x128xf32>
    %sub3A_780 = arith.subf %add3A_778, %slice3A_779 : vector<256x128xf32>
    %max3A_781 = arith.constant 0.000000e+00 : f32
    %max3A_782 = vector.broadcast %max3A_781 : f32 to vector<256x128xf32>
    %max3A_783 = arith.maximumf %sub3A_780, %max3A_782 : vector<256x128xf32>
    %eq3A_784 = arith.constant 0.000000e+00 : f32
    %eq3A_785 = vector.broadcast %eq3A_784 : f32 to vector<256x128xf32>
    %eq3A_786 = arith.cmpf oeq, %max3A_783, %eq3A_785 : vector<256x128xf32>
    %rsqrt3A_787 = math.rsqrt %max3A_783 : vector<256x128xf32>
    %mul3A_788 = arith.mulf %max3A_783, %rsqrt3A_787 : vector<256x128xf32>
    %jit3A_789 = arith.constant 0.000000e+00 : f32
    %broadcast_in_dim3A_790 = vector.broadcast %jit3A_789 : f32 to vector<256x128xf32>
    %select_n3A_791 = arith.select %eq3A_786, %broadcast_in_dim3A_790, %mul3A_788 : vector<256x128xi1>, vector<256x128xf32>
    %lt3A_792 = arith.cmpf olt, %select_n3A_791, %select_n3A_769 : vector<256x128xf32>
    %select_n3A_793 = arith.select %lt3A_792, %select_n3A_791, %select_n3A_769 : vector<256x128xi1>, vector<256x128xf32>
    %jit3A_794 = arith.constant 9 : i32
    %broadcast_in_dim3A_795 = vector.broadcast %jit3A_794 : i32 to vector<256x128xi32>
    %select_n3A_796 = arith.select %lt3A_792, %broadcast_in_dim3A_795, %select_n3A_772 : vector<256x128xi1>, vector<256x128xi32>
    %get3A_797 = arith.constant 0 : index
    %get3A_798 = arith.constant 4096 : index
    %get3A_799 = vector.load %arg4[%get3A_797, %get3A_798] : memref<1x8192xf32, #tpu.memory_space<vmem>>, vector<1x128xf32>
    %add3A_800 = vector.broadcast %get3A_4 : vector<256x1xf32> to vector<256x128xf32>
    %add3A_801 = vector.broadcast %get3A_799 : vector<1x128xf32> to vector<256x128xf32>
    %add3A_802 = arith.addf %add3A_800, %add3A_801 : vector<256x128xf32>
    %slice3A_803 = vector.extract_strided_slice %dot_general3A_559 {offsets = [0, 1280], sizes = [256, 128], strides = [1, 1]} : vector<256x2816xf32> to vector<256x128xf32>
    %sub3A_804 = arith.subf %add3A_802, %slice3A_803 : vector<256x128xf32>
    %max3A_805 = arith.constant 0.000000e+00 : f32
    %max3A_806 = vector.broadcast %max3A_805 : f32 to vector<256x128xf32>
    %max3A_807 = arith.maximumf %sub3A_804, %max3A_806 : vector<256x128xf32>
    %eq3A_808 = arith.constant 0.000000e+00 : f32
    %eq3A_809 = vector.broadcast %eq3A_808 : f32 to vector<256x128xf32>
    %eq3A_810 = arith.cmpf oeq, %max3A_807, %eq3A_809 : vector<256x128xf32>
    %rsqrt3A_811 = math.rsqrt %max3A_807 : vector<256x128xf32>
    %mul3A_812 = arith.mulf %max3A_807, %rsqrt3A_811 : vector<256x128xf32>
    %jit3A_813 = arith.constant 0.000000e+00 : f32
    %broadcast_in_dim3A_814 = vector.broadcast %jit3A_813 : f32 to vector<256x128xf32>
    %select_n3A_815 = arith.select %eq3A_810, %broadcast_in_dim3A_814, %mul3A_812 : vector<256x128xi1>, vector<256x128xf32>
    %lt3A_816 = arith.cmpf olt, %select_n3A_815, %select_n3A_793 : vector<256x128xf32>
    %select_n3A_817 = arith.select %lt3A_816, %select_n3A_815, %select_n3A_793 : vector<256x128xi1>, vector<256x128xf32>
    %jit3A_818 = arith.constant 10 : i32
    %broadcast_in_dim3A_819 = vector.broadcast %jit3A_818 : i32 to vector<256x128xi32>
    %select_n3A_820 = arith.select %lt3A_816, %broadcast_in_dim3A_819, %select_n3A_796 : vector<256x128xi1>, vector<256x128xi32>
    %get3A_821 = arith.constant 0 : index
    %get3A_822 = arith.constant 4224 : index
    %get3A_823 = vector.load %arg4[%get3A_821, %get3A_822] : memref<1x8192xf32, #tpu.memory_space<vmem>>, vector<1x128xf32>
    %add3A_824 = vector.broadcast %get3A_4 : vector<256x1xf32> to vector<256x128xf32>
    %add3A_825 = vector.broadcast %get3A_823 : vector<1x128xf32> to vector<256x128xf32>
    %add3A_826 = arith.addf %add3A_824, %add3A_825 : vector<256x128xf32>
    %slice3A_827 = vector.extract_strided_slice %dot_general3A_559 {offsets = [0, 1408], sizes = [256, 128], strides = [1, 1]} : vector<256x2816xf32> to vector<256x128xf32>
    %sub3A_828 = arith.subf %add3A_826, %slice3A_827 : vector<256x128xf32>
    %max3A_829 = arith.constant 0.000000e+00 : f32
    %max3A_830 = vector.broadcast %max3A_829 : f32 to vector<256x128xf32>
    %max3A_831 = arith.maximumf %sub3A_828, %max3A_830 : vector<256x128xf32>
    %eq3A_832 = arith.constant 0.000000e+00 : f32
    %eq3A_833 = vector.broadcast %eq3A_832 : f32 to vector<256x128xf32>
    %eq3A_834 = arith.cmpf oeq, %max3A_831, %eq3A_833 : vector<256x128xf32>
    %rsqrt3A_835 = math.rsqrt %max3A_831 : vector<256x128xf32>
    %mul3A_836 = arith.mulf %max3A_831, %rsqrt3A_835 : vector<256x128xf32>
    %jit3A_837 = arith.constant 0.000000e+00 : f32
    %broadcast_in_dim3A_838 = vector.broadcast %jit3A_837 : f32 to vector<256x128xf32>
    %select_n3A_839 = arith.select %eq3A_834, %broadcast_in_dim3A_838, %mul3A_836 : vector<256x128xi1>, vector<256x128xf32>
    %lt3A_840 = arith.cmpf olt, %select_n3A_839, %select_n3A_817 : vector<256x128xf32>
    %select_n3A_841 = arith.select %lt3A_840, %select_n3A_839, %select_n3A_817 : vector<256x128xi1>, vector<256x128xf32>
    %jit3A_842 = arith.constant 11 : i32
    %broadcast_in_dim3A_843 = vector.broadcast %jit3A_842 : i32 to vector<256x128xi32>
    %select_n3A_844 = arith.select %lt3A_840, %broadcast_in_dim3A_843, %select_n3A_820 : vector<256x128xi1>, vector<256x128xi32>
    %get3A_845 = arith.constant 0 : index
    %get3A_846 = arith.constant 4352 : index
    %get3A_847 = vector.load %arg4[%get3A_845, %get3A_846] : memref<1x8192xf32, #tpu.memory_space<vmem>>, vector<1x128xf32>
    %add3A_848 = vector.broadcast %get3A_4 : vector<256x1xf32> to vector<256x128xf32>
    %add3A_849 = vector.broadcast %get3A_847 : vector<1x128xf32> to vector<256x128xf32>
    %add3A_850 = arith.addf %add3A_848, %add3A_849 : vector<256x128xf32>
    %slice3A_851 = vector.extract_strided_slice %dot_general3A_559 {offsets = [0, 1536], sizes = [256, 128], strides = [1, 1]} : vector<256x2816xf32> to vector<256x128xf32>
    %sub3A_852 = arith.subf %add3A_850, %slice3A_851 : vector<256x128xf32>
    %max3A_853 = arith.constant 0.000000e+00 : f32
    %max3A_854 = vector.broadcast %max3A_853 : f32 to vector<256x128xf32>
    %max3A_855 = arith.maximumf %sub3A_852, %max3A_854 : vector<256x128xf32>
    %eq3A_856 = arith.constant 0.000000e+00 : f32
    %eq3A_857 = vector.broadcast %eq3A_856 : f32 to vector<256x128xf32>
    %eq3A_858 = arith.cmpf oeq, %max3A_855, %eq3A_857 : vector<256x128xf32>
    %rsqrt3A_859 = math.rsqrt %max3A_855 : vector<256x128xf32>
    %mul3A_860 = arith.mulf %max3A_855, %rsqrt3A_859 : vector<256x128xf32>
    %jit3A_861 = arith.constant 0.000000e+00 : f32
    %broadcast_in_dim3A_862 = vector.broadcast %jit3A_861 : f32 to vector<256x128xf32>
    %select_n3A_863 = arith.select %eq3A_858, %broadcast_in_dim3A_862, %mul3A_860 : vector<256x128xi1>, vector<256x128xf32>
    %lt3A_864 = arith.cmpf olt, %select_n3A_863, %select_n3A_841 : vector<256x128xf32>
    %select_n3A_865 = arith.select %lt3A_864, %select_n3A_863, %select_n3A_841 : vector<256x128xi1>, vector<256x128xf32>
    %jit3A_866 = arith.constant 12 : i32
    %broadcast_in_dim3A_867 = vector.broadcast %jit3A_866 : i32 to vector<256x128xi32>
    %select_n3A_868 = arith.select %lt3A_864, %broadcast_in_dim3A_867, %select_n3A_844 : vector<256x128xi1>, vector<256x128xi32>
    %get3A_869 = arith.constant 0 : index
    %get3A_870 = arith.constant 4480 : index
    %get3A_871 = vector.load %arg4[%get3A_869, %get3A_870] : memref<1x8192xf32, #tpu.memory_space<vmem>>, vector<1x128xf32>
    %add3A_872 = vector.broadcast %get3A_4 : vector<256x1xf32> to vector<256x128xf32>
    %add3A_873 = vector.broadcast %get3A_871 : vector<1x128xf32> to vector<256x128xf32>
    %add3A_874 = arith.addf %add3A_872, %add3A_873 : vector<256x128xf32>
    %slice3A_875 = vector.extract_strided_slice %dot_general3A_559 {offsets = [0, 1664], sizes = [256, 128], strides = [1, 1]} : vector<256x2816xf32> to vector<256x128xf32>
    %sub3A_876 = arith.subf %add3A_874, %slice3A_875 : vector<256x128xf32>
    %max3A_877 = arith.constant 0.000000e+00 : f32
    %max3A_878 = vector.broadcast %max3A_877 : f32 to vector<256x128xf32>
    %max3A_879 = arith.maximumf %sub3A_876, %max3A_878 : vector<256x128xf32>
    %eq3A_880 = arith.constant 0.000000e+00 : f32
    %eq3A_881 = vector.broadcast %eq3A_880 : f32 to vector<256x128xf32>
    %eq3A_882 = arith.cmpf oeq, %max3A_879, %eq3A_881 : vector<256x128xf32>
    %rsqrt3A_883 = math.rsqrt %max3A_879 : vector<256x128xf32>
    %mul3A_884 = arith.mulf %max3A_879, %rsqrt3A_883 : vector<256x128xf32>
    %jit3A_885 = arith.constant 0.000000e+00 : f32
    %broadcast_in_dim3A_886 = vector.broadcast %jit3A_885 : f32 to vector<256x128xf32>
    %select_n3A_887 = arith.select %eq3A_882, %broadcast_in_dim3A_886, %mul3A_884 : vector<256x128xi1>, vector<256x128xf32>
    %lt3A_888 = arith.cmpf olt, %select_n3A_887, %select_n3A_865 : vector<256x128xf32>
    %select_n3A_889 = arith.select %lt3A_888, %select_n3A_887, %select_n3A_865 : vector<256x128xi1>, vector<256x128xf32>
    %jit3A_890 = arith.constant 13 : i32
    %broadcast_in_dim3A_891 = vector.broadcast %jit3A_890 : i32 to vector<256x128xi32>
    %select_n3A_892 = arith.select %lt3A_888, %broadcast_in_dim3A_891, %select_n3A_868 : vector<256x128xi1>, vector<256x128xi32>
    %get3A_893 = arith.constant 0 : index
    %get3A_894 = arith.constant 4608 : index
    %get3A_895 = vector.load %arg4[%get3A_893, %get3A_894] : memref<1x8192xf32, #tpu.memory_space<vmem>>, vector<1x128xf32>
    %add3A_896 = vector.broadcast %get3A_4 : vector<256x1xf32> to vector<256x128xf32>
    %add3A_897 = vector.broadcast %get3A_895 : vector<1x128xf32> to vector<256x128xf32>
    %add3A_898 = arith.addf %add3A_896, %add3A_897 : vector<256x128xf32>
    %slice3A_899 = vector.extract_strided_slice %dot_general3A_559 {offsets = [0, 1792], sizes = [256, 128], strides = [1, 1]} : vector<256x2816xf32> to vector<256x128xf32>
    %sub3A_900 = arith.subf %add3A_898, %slice3A_899 : vector<256x128xf32>
    %max3A_901 = arith.constant 0.000000e+00 : f32
    %max3A_902 = vector.broadcast %max3A_901 : f32 to vector<256x128xf32>
    %max3A_903 = arith.maximumf %sub3A_900, %max3A_902 : vector<256x128xf32>
    %eq3A_904 = arith.constant 0.000000e+00 : f32
    %eq3A_905 = vector.broadcast %eq3A_904 : f32 to vector<256x128xf32>
    %eq3A_906 = arith.cmpf oeq, %max3A_903, %eq3A_905 : vector<256x128xf32>
    %rsqrt3A_907 = math.rsqrt %max3A_903 : vector<256x128xf32>
    %mul3A_908 = arith.mulf %max3A_903, %rsqrt3A_907 : vector<256x128xf32>
    %jit3A_909 = arith.constant 0.000000e+00 : f32
    %broadcast_in_dim3A_910 = vector.broadcast %jit3A_909 : f32 to vector<256x128xf32>
    %select_n3A_911 = arith.select %eq3A_906, %broadcast_in_dim3A_910, %mul3A_908 : vector<256x128xi1>, vector<256x128xf32>
    %lt3A_912 = arith.cmpf olt, %select_n3A_911, %select_n3A_889 : vector<256x128xf32>
    %select_n3A_913 = arith.select %lt3A_912, %select_n3A_911, %select_n3A_889 : vector<256x128xi1>, vector<256x128xf32>
    %jit3A_914 = arith.constant 14 : i32
    %broadcast_in_dim3A_915 = vector.broadcast %jit3A_914 : i32 to vector<256x128xi32>
    %select_n3A_916 = arith.select %lt3A_912, %broadcast_in_dim3A_915, %select_n3A_892 : vector<256x128xi1>, vector<256x128xi32>
    %get3A_917 = arith.constant 0 : index
    %get3A_918 = arith.constant 4736 : index
    %get3A_919 = vector.load %arg4[%get3A_917, %get3A_918] : memref<1x8192xf32, #tpu.memory_space<vmem>>, vector<1x128xf32>
    %add3A_920 = vector.broadcast %get3A_4 : vector<256x1xf32> to vector<256x128xf32>
    %add3A_921 = vector.broadcast %get3A_919 : vector<1x128xf32> to vector<256x128xf32>
    %add3A_922 = arith.addf %add3A_920, %add3A_921 : vector<256x128xf32>
    %slice3A_923 = vector.extract_strided_slice %dot_general3A_559 {offsets = [0, 1920], sizes = [256, 128], strides = [1, 1]} : vector<256x2816xf32> to vector<256x128xf32>
    %sub3A_924 = arith.subf %add3A_922, %slice3A_923 : vector<256x128xf32>
    %max3A_925 = arith.constant 0.000000e+00 : f32
    %max3A_926 = vector.broadcast %max3A_925 : f32 to vector<256x128xf32>
    %max3A_927 = arith.maximumf %sub3A_924, %max3A_926 : vector<256x128xf32>
    %eq3A_928 = arith.constant 0.000000e+00 : f32
    %eq3A_929 = vector.broadcast %eq3A_928 : f32 to vector<256x128xf32>
    %eq3A_930 = arith.cmpf oeq, %max3A_927, %eq3A_929 : vector<256x128xf32>
    %rsqrt3A_931 = math.rsqrt %max3A_927 : vector<256x128xf32>
    %mul3A_932 = arith.mulf %max3A_927, %rsqrt3A_931 : vector<256x128xf32>
    %jit3A_933 = arith.constant 0.000000e+00 : f32
    %broadcast_in_dim3A_934 = vector.broadcast %jit3A_933 : f32 to vector<256x128xf32>
    %select_n3A_935 = arith.select %eq3A_930, %broadcast_in_dim3A_934, %mul3A_932 : vector<256x128xi1>, vector<256x128xf32>
    %lt3A_936 = arith.cmpf olt, %select_n3A_935, %select_n3A_913 : vector<256x128xf32>
    %select_n3A_937 = arith.select %lt3A_936, %select_n3A_935, %select_n3A_913 : vector<256x128xi1>, vector<256x128xf32>
    %jit3A_938 = arith.constant 15 : i32
    %broadcast_in_dim3A_939 = vector.broadcast %jit3A_938 : i32 to vector<256x128xi32>
    %select_n3A_940 = arith.select %lt3A_936, %broadcast_in_dim3A_939, %select_n3A_916 : vector<256x128xi1>, vector<256x128xi32>
    %get3A_941 = arith.constant 0 : index
    %get3A_942 = arith.constant 4864 : index
    %get3A_943 = vector.load %arg4[%get3A_941, %get3A_942] : memref<1x8192xf32, #tpu.memory_space<vmem>>, vector<1x128xf32>
    %add3A_944 = vector.broadcast %get3A_4 : vector<256x1xf32> to vector<256x128xf32>
    %add3A_945 = vector.broadcast %get3A_943 : vector<1x128xf32> to vector<256x128xf32>
    %add3A_946 = arith.addf %add3A_944, %add3A_945 : vector<256x128xf32>
    %slice3A_947 = vector.extract_strided_slice %dot_general3A_559 {offsets = [0, 2048], sizes = [256, 128], strides = [1, 1]} : vector<256x2816xf32> to vector<256x128xf32>
    %sub3A_948 = arith.subf %add3A_946, %slice3A_947 : vector<256x128xf32>
    %max3A_949 = arith.constant 0.000000e+00 : f32
    %max3A_950 = vector.broadcast %max3A_949 : f32 to vector<256x128xf32>
    %max3A_951 = arith.maximumf %sub3A_948, %max3A_950 : vector<256x128xf32>
    %eq3A_952 = arith.constant 0.000000e+00 : f32
    %eq3A_953 = vector.broadcast %eq3A_952 : f32 to vector<256x128xf32>
    %eq3A_954 = arith.cmpf oeq, %max3A_951, %eq3A_953 : vector<256x128xf32>
    %rsqrt3A_955 = math.rsqrt %max3A_951 : vector<256x128xf32>
    %mul3A_956 = arith.mulf %max3A_951, %rsqrt3A_955 : vector<256x128xf32>
    %jit3A_957 = arith.constant 0.000000e+00 : f32
    %broadcast_in_dim3A_958 = vector.broadcast %jit3A_957 : f32 to vector<256x128xf32>
    %select_n3A_959 = arith.select %eq3A_954, %broadcast_in_dim3A_958, %mul3A_956 : vector<256x128xi1>, vector<256x128xf32>
    %lt3A_960 = arith.cmpf olt, %select_n3A_959, %select_n3A_937 : vector<256x128xf32>
    %select_n3A_961 = arith.select %lt3A_960, %select_n3A_959, %select_n3A_937 : vector<256x128xi1>, vector<256x128xf32>
    %jit3A_962 = arith.constant 16 : i32
    %broadcast_in_dim3A_963 = vector.broadcast %jit3A_962 : i32 to vector<256x128xi32>
    %select_n3A_964 = arith.select %lt3A_960, %broadcast_in_dim3A_963, %select_n3A_940 : vector<256x128xi1>, vector<256x128xi32>
    %get3A_965 = arith.constant 0 : index
    %get3A_966 = arith.constant 4992 : index
    %get3A_967 = vector.load %arg4[%get3A_965, %get3A_966] : memref<1x8192xf32, #tpu.memory_space<vmem>>, vector<1x128xf32>
    %add3A_968 = vector.broadcast %get3A_4 : vector<256x1xf32> to vector<256x128xf32>
    %add3A_969 = vector.broadcast %get3A_967 : vector<1x128xf32> to vector<256x128xf32>
    %add3A_970 = arith.addf %add3A_968, %add3A_969 : vector<256x128xf32>
    %slice3A_971 = vector.extract_strided_slice %dot_general3A_559 {offsets = [0, 2176], sizes = [256, 128], strides = [1, 1]} : vector<256x2816xf32> to vector<256x128xf32>
    %sub3A_972 = arith.subf %add3A_970, %slice3A_971 : vector<256x128xf32>
    %max3A_973 = arith.constant 0.000000e+00 : f32
    %max3A_974 = vector.broadcast %max3A_973 : f32 to vector<256x128xf32>
    %max3A_975 = arith.maximumf %sub3A_972, %max3A_974 : vector<256x128xf32>
    %eq3A_976 = arith.constant 0.000000e+00 : f32
    %eq3A_977 = vector.broadcast %eq3A_976 : f32 to vector<256x128xf32>
    %eq3A_978 = arith.cmpf oeq, %max3A_975, %eq3A_977 : vector<256x128xf32>
    %rsqrt3A_979 = math.rsqrt %max3A_975 : vector<256x128xf32>
    %mul3A_980 = arith.mulf %max3A_975, %rsqrt3A_979 : vector<256x128xf32>
    %jit3A_981 = arith.constant 0.000000e+00 : f32
    %broadcast_in_dim3A_982 = vector.broadcast %jit3A_981 : f32 to vector<256x128xf32>
    %select_n3A_983 = arith.select %eq3A_978, %broadcast_in_dim3A_982, %mul3A_980 : vector<256x128xi1>, vector<256x128xf32>
    %lt3A_984 = arith.cmpf olt, %select_n3A_983, %select_n3A_961 : vector<256x128xf32>
    %select_n3A_985 = arith.select %lt3A_984, %select_n3A_983, %select_n3A_961 : vector<256x128xi1>, vector<256x128xf32>
    %jit3A_986 = arith.constant 17 : i32
    %broadcast_in_dim3A_987 = vector.broadcast %jit3A_986 : i32 to vector<256x128xi32>
    %select_n3A_988 = arith.select %lt3A_984, %broadcast_in_dim3A_987, %select_n3A_964 : vector<256x128xi1>, vector<256x128xi32>
    %get3A_989 = arith.constant 0 : index
    %get3A_990 = arith.constant 5120 : index
    %get3A_991 = vector.load %arg4[%get3A_989, %get3A_990] : memref<1x8192xf32, #tpu.memory_space<vmem>>, vector<1x128xf32>
    %add3A_992 = vector.broadcast %get3A_4 : vector<256x1xf32> to vector<256x128xf32>
    %add3A_993 = vector.broadcast %get3A_991 : vector<1x128xf32> to vector<256x128xf32>
    %add3A_994 = arith.addf %add3A_992, %add3A_993 : vector<256x128xf32>
    %slice3A_995 = vector.extract_strided_slice %dot_general3A_559 {offsets = [0, 2304], sizes = [256, 128], strides = [1, 1]} : vector<256x2816xf32> to vector<256x128xf32>
    %sub3A_996 = arith.subf %add3A_994, %slice3A_995 : vector<256x128xf32>
    %max3A_997 = arith.constant 0.000000e+00 : f32
    %max3A_998 = vector.broadcast %max3A_997 : f32 to vector<256x128xf32>
    %max3A_999 = arith.maximumf %sub3A_996, %max3A_998 : vector<256x128xf32>
    %eq3A_1000 = arith.constant 0.000000e+00 : f32
    %eq3A_1001 = vector.broadcast %eq3A_1000 : f32 to vector<256x128xf32>
    %eq3A_1002 = arith.cmpf oeq, %max3A_999, %eq3A_1001 : vector<256x128xf32>
    %rsqrt3A_1003 = math.rsqrt %max3A_999 : vector<256x128xf32>
    %mul3A_1004 = arith.mulf %max3A_999, %rsqrt3A_1003 : vector<256x128xf32>
    %jit3A_1005 = arith.constant 0.000000e+00 : f32
    %broadcast_in_dim3A_1006 = vector.broadcast %jit3A_1005 : f32 to vector<256x128xf32>
    %select_n3A_1007 = arith.select %eq3A_1002, %broadcast_in_dim3A_1006, %mul3A_1004 : vector<256x128xi1>, vector<256x128xf32>
    %lt3A_1008 = arith.cmpf olt, %select_n3A_1007, %select_n3A_985 : vector<256x128xf32>
    %select_n3A_1009 = arith.select %lt3A_1008, %select_n3A_1007, %select_n3A_985 : vector<256x128xi1>, vector<256x128xf32>
    %jit3A_1010 = arith.constant 18 : i32
    %broadcast_in_dim3A_1011 = vector.broadcast %jit3A_1010 : i32 to vector<256x128xi32>
    %select_n3A_1012 = arith.select %lt3A_1008, %broadcast_in_dim3A_1011, %select_n3A_988 : vector<256x128xi1>, vector<256x128xi32>
    %get3A_1013 = arith.constant 0 : index
    %get3A_1014 = arith.constant 5248 : index
    %get3A_1015 = vector.load %arg4[%get3A_1013, %get3A_1014] : memref<1x8192xf32, #tpu.memory_space<vmem>>, vector<1x128xf32>
    %add3A_1016 = vector.broadcast %get3A_4 : vector<256x1xf32> to vector<256x128xf32>
    %add3A_1017 = vector.broadcast %get3A_1015 : vector<1x128xf32> to vector<256x128xf32>
    %add3A_1018 = arith.addf %add3A_1016, %add3A_1017 : vector<256x128xf32>
    %slice3A_1019 = vector.extract_strided_slice %dot_general3A_559 {offsets = [0, 2432], sizes = [256, 128], strides = [1, 1]} : vector<256x2816xf32> to vector<256x128xf32>
    %sub3A_1020 = arith.subf %add3A_1018, %slice3A_1019 : vector<256x128xf32>
    %max3A_1021 = arith.constant 0.000000e+00 : f32
    %max3A_1022 = vector.broadcast %max3A_1021 : f32 to vector<256x128xf32>
    %max3A_1023 = arith.maximumf %sub3A_1020, %max3A_1022 : vector<256x128xf32>
    %eq3A_1024 = arith.constant 0.000000e+00 : f32
    %eq3A_1025 = vector.broadcast %eq3A_1024 : f32 to vector<256x128xf32>
    %eq3A_1026 = arith.cmpf oeq, %max3A_1023, %eq3A_1025 : vector<256x128xf32>
    %rsqrt3A_1027 = math.rsqrt %max3A_1023 : vector<256x128xf32>
    %mul3A_1028 = arith.mulf %max3A_1023, %rsqrt3A_1027 : vector<256x128xf32>
    %jit3A_1029 = arith.constant 0.000000e+00 : f32
    %broadcast_in_dim3A_1030 = vector.broadcast %jit3A_1029 : f32 to vector<256x128xf32>
    %select_n3A_1031 = arith.select %eq3A_1026, %broadcast_in_dim3A_1030, %mul3A_1028 : vector<256x128xi1>, vector<256x128xf32>
    %lt3A_1032 = arith.cmpf olt, %select_n3A_1031, %select_n3A_1009 : vector<256x128xf32>
    %select_n3A_1033 = arith.select %lt3A_1032, %select_n3A_1031, %select_n3A_1009 : vector<256x128xi1>, vector<256x128xf32>
    %jit3A_1034 = arith.constant 19 : i32
    %broadcast_in_dim3A_1035 = vector.broadcast %jit3A_1034 : i32 to vector<256x128xi32>
    %select_n3A_1036 = arith.select %lt3A_1032, %broadcast_in_dim3A_1035, %select_n3A_1012 : vector<256x128xi1>, vector<256x128xi32>
    %get3A_1037 = arith.constant 0 : index
    %get3A_1038 = arith.constant 5376 : index
    %get3A_1039 = vector.load %arg4[%get3A_1037, %get3A_1038] : memref<1x8192xf32, #tpu.memory_space<vmem>>, vector<1x128xf32>
    %add3A_1040 = vector.broadcast %get3A_4 : vector<256x1xf32> to vector<256x128xf32>
    %add3A_1041 = vector.broadcast %get3A_1039 : vector<1x128xf32> to vector<256x128xf32>
    %add3A_1042 = arith.addf %add3A_1040, %add3A_1041 : vector<256x128xf32>
    %slice3A_1043 = vector.extract_strided_slice %dot_general3A_559 {offsets = [0, 2560], sizes = [256, 128], strides = [1, 1]} : vector<256x2816xf32> to vector<256x128xf32>
    %sub3A_1044 = arith.subf %add3A_1042, %slice3A_1043 : vector<256x128xf32>
    %max3A_1045 = arith.constant 0.000000e+00 : f32
    %max3A_1046 = vector.broadcast %max3A_1045 : f32 to vector<256x128xf32>
    %max3A_1047 = arith.maximumf %sub3A_1044, %max3A_1046 : vector<256x128xf32>
    %eq3A_1048 = arith.constant 0.000000e+00 : f32
    %eq3A_1049 = vector.broadcast %eq3A_1048 : f32 to vector<256x128xf32>
    %eq3A_1050 = arith.cmpf oeq, %max3A_1047, %eq3A_1049 : vector<256x128xf32>
    %rsqrt3A_1051 = math.rsqrt %max3A_1047 : vector<256x128xf32>
    %mul3A_1052 = arith.mulf %max3A_1047, %rsqrt3A_1051 : vector<256x128xf32>
    %jit3A_1053 = arith.constant 0.000000e+00 : f32
    %broadcast_in_dim3A_1054 = vector.broadcast %jit3A_1053 : f32 to vector<256x128xf32>
    %select_n3A_1055 = arith.select %eq3A_1050, %broadcast_in_dim3A_1054, %mul3A_1052 : vector<256x128xi1>, vector<256x128xf32>
    %lt3A_1056 = arith.cmpf olt, %select_n3A_1055, %select_n3A_1033 : vector<256x128xf32>
    %select_n3A_1057 = arith.select %lt3A_1056, %select_n3A_1055, %select_n3A_1033 : vector<256x128xi1>, vector<256x128xf32>
    %jit3A_1058 = arith.constant 20 : i32
    %broadcast_in_dim3A_1059 = vector.broadcast %jit3A_1058 : i32 to vector<256x128xi32>
    %select_n3A_1060 = arith.select %lt3A_1056, %broadcast_in_dim3A_1059, %select_n3A_1036 : vector<256x128xi1>, vector<256x128xi32>
    %get3A_1061 = arith.constant 0 : index
    %get3A_1062 = arith.constant 5504 : index
    %get3A_1063 = vector.load %arg4[%get3A_1061, %get3A_1062] : memref<1x8192xf32, #tpu.memory_space<vmem>>, vector<1x128xf32>
    %add3A_1064 = vector.broadcast %get3A_4 : vector<256x1xf32> to vector<256x128xf32>
    %add3A_1065 = vector.broadcast %get3A_1063 : vector<1x128xf32> to vector<256x128xf32>
    %add3A_1066 = arith.addf %add3A_1064, %add3A_1065 : vector<256x128xf32>
    %slice3A_1067 = vector.extract_strided_slice %dot_general3A_559 {offsets = [0, 2688], sizes = [256, 128], strides = [1, 1]} : vector<256x2816xf32> to vector<256x128xf32>
    %sub3A_1068 = arith.subf %add3A_1066, %slice3A_1067 : vector<256x128xf32>
    %max3A_1069 = arith.constant 0.000000e+00 : f32
    %max3A_1070 = vector.broadcast %max3A_1069 : f32 to vector<256x128xf32>
    %max3A_1071 = arith.maximumf %sub3A_1068, %max3A_1070 : vector<256x128xf32>
    %eq3A_1072 = arith.constant 0.000000e+00 : f32
    %eq3A_1073 = vector.broadcast %eq3A_1072 : f32 to vector<256x128xf32>
    %eq3A_1074 = arith.cmpf oeq, %max3A_1071, %eq3A_1073 : vector<256x128xf32>
    %rsqrt3A_1075 = math.rsqrt %max3A_1071 : vector<256x128xf32>
    %mul3A_1076 = arith.mulf %max3A_1071, %rsqrt3A_1075 : vector<256x128xf32>
    %jit3A_1077 = arith.constant 0.000000e+00 : f32
    %broadcast_in_dim3A_1078 = vector.broadcast %jit3A_1077 : f32 to vector<256x128xf32>
    %select_n3A_1079 = arith.select %eq3A_1074, %broadcast_in_dim3A_1078, %mul3A_1076 : vector<256x128xi1>, vector<256x128xf32>
    %lt3A_1080 = arith.cmpf olt, %select_n3A_1079, %select_n3A_1057 : vector<256x128xf32>
    %select_n3A_1081 = arith.select %lt3A_1080, %select_n3A_1079, %select_n3A_1057 : vector<256x128xi1>, vector<256x128xf32>
    %jit3A_1082 = arith.constant 21 : i32
    %broadcast_in_dim3A_1083 = vector.broadcast %jit3A_1082 : i32 to vector<256x128xi32>
    %select_n3A_1084 = arith.select %lt3A_1080, %broadcast_in_dim3A_1083, %select_n3A_1060 : vector<256x128xi1>, vector<256x128xi32>
    %mul3A_1085 = arith.constant 128 : i32
    %mul3A_1086 = vector.broadcast %mul3A_1085 : i32 to vector<256x128xi32>
    %mul3A_1087 = arith.muli %select_n3A_1084, %mul3A_1086 : vector<256x128xi32>
    %add3A_1088 = arith.constant 2816 : i32
    %add3A_1089 = vector.broadcast %add3A_1088 : i32 to vector<256x128xi32>
    %add3A_1090 = arith.addi %add3A_1089, %mul3A_1087 : vector<256x128xi32>
    %add3A_1091 = arith.addi %add3A_1090, %iota3A : vector<256x128xi32>
    %reduce_min3A_1092 = arith.constant dense<0x7F800000> : vector<256xf32>
    %reduce_min3A_1093 = vector.multi_reduction <minimumf>, %select_n3A_1081, %reduce_min3A_1092 [1] : vector<256x128xf32> to vector<256xf32>
    %broadcast_in_dim3A_1094 = vector.shape_cast %reduce_min3A_1093 : vector<256xf32> to vector<256x1xf32>
    %eq3A_1095 = vector.broadcast %broadcast_in_dim3A_1094 : vector<256x1xf32> to vector<256x128xf32>
    %eq3A_1096 = arith.cmpf oeq, %select_n3A_1081, %eq3A_1095 : vector<256x128xf32>
    %jit3A_1097 = arith.constant 8192 : i32
    %broadcast_in_dim3A_1098 = vector.broadcast %jit3A_1097 : i32 to vector<256x128xi32>
    %select_n3A_1099 = arith.select %eq3A_1096, %add3A_1091, %broadcast_in_dim3A_1098 : vector<256x128xi1>, vector<256x128xi32>
    %reduce_min3A_1100 = arith.constant dense<2147483647> : vector<256xi32>
    %reduce_min3A_1101 = vector.multi_reduction <minsi>, %select_n3A_1099, %reduce_min3A_1100 [1] : vector<256x128xi32> to vector<256xi32>
    %broadcast_in_dim3A_1102 = vector.shape_cast %reduce_min3A_1101 : vector<256xi32> to vector<256x1xi32>
    %lt3A_1103 = arith.cmpf olt, %broadcast_in_dim3A_1094, %bitcast_convert_type3A_554 : vector<256x1xf32>
    %eq3A_1104 = arith.cmpf oeq, %broadcast_in_dim3A_1094, %bitcast_convert_type3A_554 : vector<256x1xf32>
    %lt3A_1105 = arith.cmpi slt, %broadcast_in_dim3A_1102, %broadcast_in_dim3A_542 : vector<256x1xi32>
    %and3A_1106 = arith.andi %eq3A_1104, %lt3A_1105 : vector<256x1xi1>
    %or3A = arith.ori %lt3A_1103, %and3A_1106 : vector<256x1xi1>
    %select_n3A_1107 = arith.select %or3A, %broadcast_in_dim3A_1102, %broadcast_in_dim3A_542 : vector<256x1xi1>, vector<256x1xi32>
    %select_n3A_1108 = arith.select %or3A, %broadcast_in_dim3A_1094, %bitcast_convert_type3A_554 : vector<256x1xi1>, vector<256x1xf32>
    %bitcast_convert_type3A_1109 = tpu.bitcast %select_n3A_1108 : vector<256x1xf32> -> vector<256x1xi32>
    %add3A_1110 = arith.constant 32767 : i32
    %add3A_1111 = vector.broadcast %add3A_1110 : i32 to vector<256x1xi32>
    %add3A_1112 = arith.addi %bitcast_convert_type3A_1109, %add3A_1111 : vector<256x1xi32>
    %shift_right_logical3A_1113 = arith.constant 16 : i32
    %shift_right_logical3A_1114 = vector.broadcast %shift_right_logical3A_1113 : i32 to vector<256x1xi32>
    %shift_right_logical3A_1115 = arith.shrui %bitcast_convert_type3A_1109, %shift_right_logical3A_1114 : vector<256x1xi32>
    %and3A_1116 = arith.constant 1 : i32
    %and3A_1117 = vector.broadcast %and3A_1116 : i32 to vector<256x1xi32>
    %and3A_1118 = arith.andi %shift_right_logical3A_1115, %and3A_1117 : vector<256x1xi32>
    %add3A_1119 = arith.addi %add3A_1112, %and3A_1118 : vector<256x1xi32>
    %and3A_1120 = arith.constant -65536 : i32
    %and3A_1121 = vector.broadcast %and3A_1120 : i32 to vector<256x1xi32>
    %and3A_1122 = arith.andi %add3A_1119, %and3A_1121 : vector<256x1xi32>
    %bitcast_convert_type3A_1123 = tpu.bitcast %and3A_1122 : vector<256x1xi32> -> vector<256x1xf32>
    %get3A_1124 = arith.constant 5632 : index
    %get3A_1125 = arith.constant 0 : index
    %get3A_1126 = vector.load %arg3[%get3A_1124, %get3A_1125] : memref<8192x256xbf16, #tpu.memory_space<vmem>>, vector<2560x256xbf16>
    %dot_general3A_1127 = arith.constant dense<0.000000e+00> : vector<256x2560xf32>
    %dot_general3A_1128 = tpu.matmul %convert_element_type3A, %get3A_1126, %dot_general3A_1127 {dimension_numbers = #tpu.dot_dimension_numbers<[1], [1], [0], [0], [0, 0, 1, 0], [], []>, transpose_lhs_hint = false} : vector<256x256xbf16>, vector<2560x256xbf16>, vector<256x2560xf32> -> vector<256x2560xf32>
    %broadcast_in_dim3A_1129 = arith.constant 0 : i32
    %broadcast_in_dim3A_1130 = vector.broadcast %broadcast_in_dim3A_1129 : i32 to vector<256x128xi32>
    %get3A_1131 = arith.constant 0 : index
    %get3A_1132 = arith.constant 5632 : index
    %get3A_1133 = vector.load %arg4[%get3A_1131, %get3A_1132] : memref<1x8192xf32, #tpu.memory_space<vmem>>, vector<1x128xf32>
    %add3A_1134 = vector.broadcast %get3A_4 : vector<256x1xf32> to vector<256x128xf32>
    %add3A_1135 = vector.broadcast %get3A_1133 : vector<1x128xf32> to vector<256x128xf32>
    %add3A_1136 = arith.addf %add3A_1134, %add3A_1135 : vector<256x128xf32>
    %slice3A_1137 = vector.extract_strided_slice %dot_general3A_1128 {offsets = [0, 0], sizes = [256, 128], strides = [1, 1]} : vector<256x2560xf32> to vector<256x128xf32>
    %sub3A_1138 = arith.subf %add3A_1136, %slice3A_1137 : vector<256x128xf32>
    %max3A_1139 = arith.constant 0.000000e+00 : f32
    %max3A_1140 = vector.broadcast %max3A_1139 : f32 to vector<256x128xf32>
    %max3A_1141 = arith.maximumf %sub3A_1138, %max3A_1140 : vector<256x128xf32>
    %eq3A_1142 = arith.constant 0.000000e+00 : f32
    %eq3A_1143 = vector.broadcast %eq3A_1142 : f32 to vector<256x128xf32>
    %eq3A_1144 = arith.cmpf oeq, %max3A_1141, %eq3A_1143 : vector<256x128xf32>
    %rsqrt3A_1145 = math.rsqrt %max3A_1141 : vector<256x128xf32>
    %mul3A_1146 = arith.mulf %max3A_1141, %rsqrt3A_1145 : vector<256x128xf32>
    %jit3A_1147 = arith.constant 0.000000e+00 : f32
    %broadcast_in_dim3A_1148 = vector.broadcast %jit3A_1147 : f32 to vector<256x128xf32>
    %select_n3A_1149 = arith.select %eq3A_1144, %broadcast_in_dim3A_1148, %mul3A_1146 : vector<256x128xi1>, vector<256x128xf32>
    %get3A_1150 = arith.constant 0 : index
    %get3A_1151 = arith.constant 5760 : index
    %get3A_1152 = vector.load %arg4[%get3A_1150, %get3A_1151] : memref<1x8192xf32, #tpu.memory_space<vmem>>, vector<1x128xf32>
    %add3A_1153 = vector.broadcast %get3A_4 : vector<256x1xf32> to vector<256x128xf32>
    %add3A_1154 = vector.broadcast %get3A_1152 : vector<1x128xf32> to vector<256x128xf32>
    %add3A_1155 = arith.addf %add3A_1153, %add3A_1154 : vector<256x128xf32>
    %slice3A_1156 = vector.extract_strided_slice %dot_general3A_1128 {offsets = [0, 128], sizes = [256, 128], strides = [1, 1]} : vector<256x2560xf32> to vector<256x128xf32>
    %sub3A_1157 = arith.subf %add3A_1155, %slice3A_1156 : vector<256x128xf32>
    %max3A_1158 = arith.constant 0.000000e+00 : f32
    %max3A_1159 = vector.broadcast %max3A_1158 : f32 to vector<256x128xf32>
    %max3A_1160 = arith.maximumf %sub3A_1157, %max3A_1159 : vector<256x128xf32>
    %eq3A_1161 = arith.constant 0.000000e+00 : f32
    %eq3A_1162 = vector.broadcast %eq3A_1161 : f32 to vector<256x128xf32>
    %eq3A_1163 = arith.cmpf oeq, %max3A_1160, %eq3A_1162 : vector<256x128xf32>
    %rsqrt3A_1164 = math.rsqrt %max3A_1160 : vector<256x128xf32>
    %mul3A_1165 = arith.mulf %max3A_1160, %rsqrt3A_1164 : vector<256x128xf32>
    %jit3A_1166 = arith.constant 0.000000e+00 : f32
    %broadcast_in_dim3A_1167 = vector.broadcast %jit3A_1166 : f32 to vector<256x128xf32>
    %select_n3A_1168 = arith.select %eq3A_1163, %broadcast_in_dim3A_1167, %mul3A_1165 : vector<256x128xi1>, vector<256x128xf32>
    %lt3A_1169 = arith.cmpf olt, %select_n3A_1168, %select_n3A_1149 : vector<256x128xf32>
    %select_n3A_1170 = arith.select %lt3A_1169, %select_n3A_1168, %select_n3A_1149 : vector<256x128xi1>, vector<256x128xf32>
    %jit3A_1171 = arith.constant 1 : i32
    %broadcast_in_dim3A_1172 = vector.broadcast %jit3A_1171 : i32 to vector<256x128xi32>
    %select_n3A_1173 = arith.select %lt3A_1169, %broadcast_in_dim3A_1172, %broadcast_in_dim3A_1130 : vector<256x128xi1>, vector<256x128xi32>
    %get3A_1174 = arith.constant 0 : index
    %get3A_1175 = arith.constant 5888 : index
    %get3A_1176 = vector.load %arg4[%get3A_1174, %get3A_1175] : memref<1x8192xf32, #tpu.memory_space<vmem>>, vector<1x128xf32>
    %add3A_1177 = vector.broadcast %get3A_4 : vector<256x1xf32> to vector<256x128xf32>
    %add3A_1178 = vector.broadcast %get3A_1176 : vector<1x128xf32> to vector<256x128xf32>
    %add3A_1179 = arith.addf %add3A_1177, %add3A_1178 : vector<256x128xf32>
    %slice3A_1180 = vector.extract_strided_slice %dot_general3A_1128 {offsets = [0, 256], sizes = [256, 128], strides = [1, 1]} : vector<256x2560xf32> to vector<256x128xf32>
    %sub3A_1181 = arith.subf %add3A_1179, %slice3A_1180 : vector<256x128xf32>
    %max3A_1182 = arith.constant 0.000000e+00 : f32
    %max3A_1183 = vector.broadcast %max3A_1182 : f32 to vector<256x128xf32>
    %max3A_1184 = arith.maximumf %sub3A_1181, %max3A_1183 : vector<256x128xf32>
    %eq3A_1185 = arith.constant 0.000000e+00 : f32
    %eq3A_1186 = vector.broadcast %eq3A_1185 : f32 to vector<256x128xf32>
    %eq3A_1187 = arith.cmpf oeq, %max3A_1184, %eq3A_1186 : vector<256x128xf32>
    %rsqrt3A_1188 = math.rsqrt %max3A_1184 : vector<256x128xf32>
    %mul3A_1189 = arith.mulf %max3A_1184, %rsqrt3A_1188 : vector<256x128xf32>
    %jit3A_1190 = arith.constant 0.000000e+00 : f32
    %broadcast_in_dim3A_1191 = vector.broadcast %jit3A_1190 : f32 to vector<256x128xf32>
    %select_n3A_1192 = arith.select %eq3A_1187, %broadcast_in_dim3A_1191, %mul3A_1189 : vector<256x128xi1>, vector<256x128xf32>
    %lt3A_1193 = arith.cmpf olt, %select_n3A_1192, %select_n3A_1170 : vector<256x128xf32>
    %select_n3A_1194 = arith.select %lt3A_1193, %select_n3A_1192, %select_n3A_1170 : vector<256x128xi1>, vector<256x128xf32>
    %jit3A_1195 = arith.constant 2 : i32
    %broadcast_in_dim3A_1196 = vector.broadcast %jit3A_1195 : i32 to vector<256x128xi32>
    %select_n3A_1197 = arith.select %lt3A_1193, %broadcast_in_dim3A_1196, %select_n3A_1173 : vector<256x128xi1>, vector<256x128xi32>
    %get3A_1198 = arith.constant 0 : index
    %get3A_1199 = arith.constant 6016 : index
    %get3A_1200 = vector.load %arg4[%get3A_1198, %get3A_1199] : memref<1x8192xf32, #tpu.memory_space<vmem>>, vector<1x128xf32>
    %add3A_1201 = vector.broadcast %get3A_4 : vector<256x1xf32> to vector<256x128xf32>
    %add3A_1202 = vector.broadcast %get3A_1200 : vector<1x128xf32> to vector<256x128xf32>
    %add3A_1203 = arith.addf %add3A_1201, %add3A_1202 : vector<256x128xf32>
    %slice3A_1204 = vector.extract_strided_slice %dot_general3A_1128 {offsets = [0, 384], sizes = [256, 128], strides = [1, 1]} : vector<256x2560xf32> to vector<256x128xf32>
    %sub3A_1205 = arith.subf %add3A_1203, %slice3A_1204 : vector<256x128xf32>
    %max3A_1206 = arith.constant 0.000000e+00 : f32
    %max3A_1207 = vector.broadcast %max3A_1206 : f32 to vector<256x128xf32>
    %max3A_1208 = arith.maximumf %sub3A_1205, %max3A_1207 : vector<256x128xf32>
    %eq3A_1209 = arith.constant 0.000000e+00 : f32
    %eq3A_1210 = vector.broadcast %eq3A_1209 : f32 to vector<256x128xf32>
    %eq3A_1211 = arith.cmpf oeq, %max3A_1208, %eq3A_1210 : vector<256x128xf32>
    %rsqrt3A_1212 = math.rsqrt %max3A_1208 : vector<256x128xf32>
    %mul3A_1213 = arith.mulf %max3A_1208, %rsqrt3A_1212 : vector<256x128xf32>
    %jit3A_1214 = arith.constant 0.000000e+00 : f32
    %broadcast_in_dim3A_1215 = vector.broadcast %jit3A_1214 : f32 to vector<256x128xf32>
    %select_n3A_1216 = arith.select %eq3A_1211, %broadcast_in_dim3A_1215, %mul3A_1213 : vector<256x128xi1>, vector<256x128xf32>
    %lt3A_1217 = arith.cmpf olt, %select_n3A_1216, %select_n3A_1194 : vector<256x128xf32>
    %select_n3A_1218 = arith.select %lt3A_1217, %select_n3A_1216, %select_n3A_1194 : vector<256x128xi1>, vector<256x128xf32>
    %jit3A_1219 = arith.constant 3 : i32
    %broadcast_in_dim3A_1220 = vector.broadcast %jit3A_1219 : i32 to vector<256x128xi32>
    %select_n3A_1221 = arith.select %lt3A_1217, %broadcast_in_dim3A_1220, %select_n3A_1197 : vector<256x128xi1>, vector<256x128xi32>
    %get3A_1222 = arith.constant 0 : index
    %get3A_1223 = arith.constant 6144 : index
    %get3A_1224 = vector.load %arg4[%get3A_1222, %get3A_1223] : memref<1x8192xf32, #tpu.memory_space<vmem>>, vector<1x128xf32>
    %add3A_1225 = vector.broadcast %get3A_4 : vector<256x1xf32> to vector<256x128xf32>
    %add3A_1226 = vector.broadcast %get3A_1224 : vector<1x128xf32> to vector<256x128xf32>
    %add3A_1227 = arith.addf %add3A_1225, %add3A_1226 : vector<256x128xf32>
    %slice3A_1228 = vector.extract_strided_slice %dot_general3A_1128 {offsets = [0, 512], sizes = [256, 128], strides = [1, 1]} : vector<256x2560xf32> to vector<256x128xf32>
    %sub3A_1229 = arith.subf %add3A_1227, %slice3A_1228 : vector<256x128xf32>
    %max3A_1230 = arith.constant 0.000000e+00 : f32
    %max3A_1231 = vector.broadcast %max3A_1230 : f32 to vector<256x128xf32>
    %max3A_1232 = arith.maximumf %sub3A_1229, %max3A_1231 : vector<256x128xf32>
    %eq3A_1233 = arith.constant 0.000000e+00 : f32
    %eq3A_1234 = vector.broadcast %eq3A_1233 : f32 to vector<256x128xf32>
    %eq3A_1235 = arith.cmpf oeq, %max3A_1232, %eq3A_1234 : vector<256x128xf32>
    %rsqrt3A_1236 = math.rsqrt %max3A_1232 : vector<256x128xf32>
    %mul3A_1237 = arith.mulf %max3A_1232, %rsqrt3A_1236 : vector<256x128xf32>
    %jit3A_1238 = arith.constant 0.000000e+00 : f32
    %broadcast_in_dim3A_1239 = vector.broadcast %jit3A_1238 : f32 to vector<256x128xf32>
    %select_n3A_1240 = arith.select %eq3A_1235, %broadcast_in_dim3A_1239, %mul3A_1237 : vector<256x128xi1>, vector<256x128xf32>
    %lt3A_1241 = arith.cmpf olt, %select_n3A_1240, %select_n3A_1218 : vector<256x128xf32>
    %select_n3A_1242 = arith.select %lt3A_1241, %select_n3A_1240, %select_n3A_1218 : vector<256x128xi1>, vector<256x128xf32>
    %jit3A_1243 = arith.constant 4 : i32
    %broadcast_in_dim3A_1244 = vector.broadcast %jit3A_1243 : i32 to vector<256x128xi32>
    %select_n3A_1245 = arith.select %lt3A_1241, %broadcast_in_dim3A_1244, %select_n3A_1221 : vector<256x128xi1>, vector<256x128xi32>
    %get3A_1246 = arith.constant 0 : index
    %get3A_1247 = arith.constant 6272 : index
    %get3A_1248 = vector.load %arg4[%get3A_1246, %get3A_1247] : memref<1x8192xf32, #tpu.memory_space<vmem>>, vector<1x128xf32>
    %add3A_1249 = vector.broadcast %get3A_4 : vector<256x1xf32> to vector<256x128xf32>
    %add3A_1250 = vector.broadcast %get3A_1248 : vector<1x128xf32> to vector<256x128xf32>
    %add3A_1251 = arith.addf %add3A_1249, %add3A_1250 : vector<256x128xf32>
    %slice3A_1252 = vector.extract_strided_slice %dot_general3A_1128 {offsets = [0, 640], sizes = [256, 128], strides = [1, 1]} : vector<256x2560xf32> to vector<256x128xf32>
    %sub3A_1253 = arith.subf %add3A_1251, %slice3A_1252 : vector<256x128xf32>
    %max3A_1254 = arith.constant 0.000000e+00 : f32
    %max3A_1255 = vector.broadcast %max3A_1254 : f32 to vector<256x128xf32>
    %max3A_1256 = arith.maximumf %sub3A_1253, %max3A_1255 : vector<256x128xf32>
    %eq3A_1257 = arith.constant 0.000000e+00 : f32
    %eq3A_1258 = vector.broadcast %eq3A_1257 : f32 to vector<256x128xf32>
    %eq3A_1259 = arith.cmpf oeq, %max3A_1256, %eq3A_1258 : vector<256x128xf32>
    %rsqrt3A_1260 = math.rsqrt %max3A_1256 : vector<256x128xf32>
    %mul3A_1261 = arith.mulf %max3A_1256, %rsqrt3A_1260 : vector<256x128xf32>
    %jit3A_1262 = arith.constant 0.000000e+00 : f32
    %broadcast_in_dim3A_1263 = vector.broadcast %jit3A_1262 : f32 to vector<256x128xf32>
    %select_n3A_1264 = arith.select %eq3A_1259, %broadcast_in_dim3A_1263, %mul3A_1261 : vector<256x128xi1>, vector<256x128xf32>
    %lt3A_1265 = arith.cmpf olt, %select_n3A_1264, %select_n3A_1242 : vector<256x128xf32>
    %select_n3A_1266 = arith.select %lt3A_1265, %select_n3A_1264, %select_n3A_1242 : vector<256x128xi1>, vector<256x128xf32>
    %jit3A_1267 = arith.constant 5 : i32
    %broadcast_in_dim3A_1268 = vector.broadcast %jit3A_1267 : i32 to vector<256x128xi32>
    %select_n3A_1269 = arith.select %lt3A_1265, %broadcast_in_dim3A_1268, %select_n3A_1245 : vector<256x128xi1>, vector<256x128xi32>
    %get3A_1270 = arith.constant 0 : index
    %get3A_1271 = arith.constant 6400 : index
    %get3A_1272 = vector.load %arg4[%get3A_1270, %get3A_1271] : memref<1x8192xf32, #tpu.memory_space<vmem>>, vector<1x128xf32>
    %add3A_1273 = vector.broadcast %get3A_4 : vector<256x1xf32> to vector<256x128xf32>
    %add3A_1274 = vector.broadcast %get3A_1272 : vector<1x128xf32> to vector<256x128xf32>
    %add3A_1275 = arith.addf %add3A_1273, %add3A_1274 : vector<256x128xf32>
    %slice3A_1276 = vector.extract_strided_slice %dot_general3A_1128 {offsets = [0, 768], sizes = [256, 128], strides = [1, 1]} : vector<256x2560xf32> to vector<256x128xf32>
    %sub3A_1277 = arith.subf %add3A_1275, %slice3A_1276 : vector<256x128xf32>
    %max3A_1278 = arith.constant 0.000000e+00 : f32
    %max3A_1279 = vector.broadcast %max3A_1278 : f32 to vector<256x128xf32>
    %max3A_1280 = arith.maximumf %sub3A_1277, %max3A_1279 : vector<256x128xf32>
    %eq3A_1281 = arith.constant 0.000000e+00 : f32
    %eq3A_1282 = vector.broadcast %eq3A_1281 : f32 to vector<256x128xf32>
    %eq3A_1283 = arith.cmpf oeq, %max3A_1280, %eq3A_1282 : vector<256x128xf32>
    %rsqrt3A_1284 = math.rsqrt %max3A_1280 : vector<256x128xf32>
    %mul3A_1285 = arith.mulf %max3A_1280, %rsqrt3A_1284 : vector<256x128xf32>
    %jit3A_1286 = arith.constant 0.000000e+00 : f32
    %broadcast_in_dim3A_1287 = vector.broadcast %jit3A_1286 : f32 to vector<256x128xf32>
    %select_n3A_1288 = arith.select %eq3A_1283, %broadcast_in_dim3A_1287, %mul3A_1285 : vector<256x128xi1>, vector<256x128xf32>
    %lt3A_1289 = arith.cmpf olt, %select_n3A_1288, %select_n3A_1266 : vector<256x128xf32>
    %select_n3A_1290 = arith.select %lt3A_1289, %select_n3A_1288, %select_n3A_1266 : vector<256x128xi1>, vector<256x128xf32>
    %jit3A_1291 = arith.constant 6 : i32
    %broadcast_in_dim3A_1292 = vector.broadcast %jit3A_1291 : i32 to vector<256x128xi32>
    %select_n3A_1293 = arith.select %lt3A_1289, %broadcast_in_dim3A_1292, %select_n3A_1269 : vector<256x128xi1>, vector<256x128xi32>
    %get3A_1294 = arith.constant 0 : index
    %get3A_1295 = arith.constant 6528 : index
    %get3A_1296 = vector.load %arg4[%get3A_1294, %get3A_1295] : memref<1x8192xf32, #tpu.memory_space<vmem>>, vector<1x128xf32>
    %add3A_1297 = vector.broadcast %get3A_4 : vector<256x1xf32> to vector<256x128xf32>
    %add3A_1298 = vector.broadcast %get3A_1296 : vector<1x128xf32> to vector<256x128xf32>
    %add3A_1299 = arith.addf %add3A_1297, %add3A_1298 : vector<256x128xf32>
    %slice3A_1300 = vector.extract_strided_slice %dot_general3A_1128 {offsets = [0, 896], sizes = [256, 128], strides = [1, 1]} : vector<256x2560xf32> to vector<256x128xf32>
    %sub3A_1301 = arith.subf %add3A_1299, %slice3A_1300 : vector<256x128xf32>
    %max3A_1302 = arith.constant 0.000000e+00 : f32
    %max3A_1303 = vector.broadcast %max3A_1302 : f32 to vector<256x128xf32>
    %max3A_1304 = arith.maximumf %sub3A_1301, %max3A_1303 : vector<256x128xf32>
    %eq3A_1305 = arith.constant 0.000000e+00 : f32
    %eq3A_1306 = vector.broadcast %eq3A_1305 : f32 to vector<256x128xf32>
    %eq3A_1307 = arith.cmpf oeq, %max3A_1304, %eq3A_1306 : vector<256x128xf32>
    %rsqrt3A_1308 = math.rsqrt %max3A_1304 : vector<256x128xf32>
    %mul3A_1309 = arith.mulf %max3A_1304, %rsqrt3A_1308 : vector<256x128xf32>
    %jit3A_1310 = arith.constant 0.000000e+00 : f32
    %broadcast_in_dim3A_1311 = vector.broadcast %jit3A_1310 : f32 to vector<256x128xf32>
    %select_n3A_1312 = arith.select %eq3A_1307, %broadcast_in_dim3A_1311, %mul3A_1309 : vector<256x128xi1>, vector<256x128xf32>
    %lt3A_1313 = arith.cmpf olt, %select_n3A_1312, %select_n3A_1290 : vector<256x128xf32>
    %select_n3A_1314 = arith.select %lt3A_1313, %select_n3A_1312, %select_n3A_1290 : vector<256x128xi1>, vector<256x128xf32>
    %jit3A_1315 = arith.constant 7 : i32
    %broadcast_in_dim3A_1316 = vector.broadcast %jit3A_1315 : i32 to vector<256x128xi32>
    %select_n3A_1317 = arith.select %lt3A_1313, %broadcast_in_dim3A_1316, %select_n3A_1293 : vector<256x128xi1>, vector<256x128xi32>
    %get3A_1318 = arith.constant 0 : index
    %get3A_1319 = arith.constant 6656 : index
    %get3A_1320 = vector.load %arg4[%get3A_1318, %get3A_1319] : memref<1x8192xf32, #tpu.memory_space<vmem>>, vector<1x128xf32>
    %add3A_1321 = vector.broadcast %get3A_4 : vector<256x1xf32> to vector<256x128xf32>
    %add3A_1322 = vector.broadcast %get3A_1320 : vector<1x128xf32> to vector<256x128xf32>
    %add3A_1323 = arith.addf %add3A_1321, %add3A_1322 : vector<256x128xf32>
    %slice3A_1324 = vector.extract_strided_slice %dot_general3A_1128 {offsets = [0, 1024], sizes = [256, 128], strides = [1, 1]} : vector<256x2560xf32> to vector<256x128xf32>
    %sub3A_1325 = arith.subf %add3A_1323, %slice3A_1324 : vector<256x128xf32>
    %max3A_1326 = arith.constant 0.000000e+00 : f32
    %max3A_1327 = vector.broadcast %max3A_1326 : f32 to vector<256x128xf32>
    %max3A_1328 = arith.maximumf %sub3A_1325, %max3A_1327 : vector<256x128xf32>
    %eq3A_1329 = arith.constant 0.000000e+00 : f32
    %eq3A_1330 = vector.broadcast %eq3A_1329 : f32 to vector<256x128xf32>
    %eq3A_1331 = arith.cmpf oeq, %max3A_1328, %eq3A_1330 : vector<256x128xf32>
    %rsqrt3A_1332 = math.rsqrt %max3A_1328 : vector<256x128xf32>
    %mul3A_1333 = arith.mulf %max3A_1328, %rsqrt3A_1332 : vector<256x128xf32>
    %jit3A_1334 = arith.constant 0.000000e+00 : f32
    %broadcast_in_dim3A_1335 = vector.broadcast %jit3A_1334 : f32 to vector<256x128xf32>
    %select_n3A_1336 = arith.select %eq3A_1331, %broadcast_in_dim3A_1335, %mul3A_1333 : vector<256x128xi1>, vector<256x128xf32>
    %lt3A_1337 = arith.cmpf olt, %select_n3A_1336, %select_n3A_1314 : vector<256x128xf32>
    %select_n3A_1338 = arith.select %lt3A_1337, %select_n3A_1336, %select_n3A_1314 : vector<256x128xi1>, vector<256x128xf32>
    %jit3A_1339 = arith.constant 8 : i32
    %broadcast_in_dim3A_1340 = vector.broadcast %jit3A_1339 : i32 to vector<256x128xi32>
    %select_n3A_1341 = arith.select %lt3A_1337, %broadcast_in_dim3A_1340, %select_n3A_1317 : vector<256x128xi1>, vector<256x128xi32>
    %get3A_1342 = arith.constant 0 : index
    %get3A_1343 = arith.constant 6784 : index
    %get3A_1344 = vector.load %arg4[%get3A_1342, %get3A_1343] : memref<1x8192xf32, #tpu.memory_space<vmem>>, vector<1x128xf32>
    %add3A_1345 = vector.broadcast %get3A_4 : vector<256x1xf32> to vector<256x128xf32>
    %add3A_1346 = vector.broadcast %get3A_1344 : vector<1x128xf32> to vector<256x128xf32>
    %add3A_1347 = arith.addf %add3A_1345, %add3A_1346 : vector<256x128xf32>
    %slice3A_1348 = vector.extract_strided_slice %dot_general3A_1128 {offsets = [0, 1152], sizes = [256, 128], strides = [1, 1]} : vector<256x2560xf32> to vector<256x128xf32>
    %sub3A_1349 = arith.subf %add3A_1347, %slice3A_1348 : vector<256x128xf32>
    %max3A_1350 = arith.constant 0.000000e+00 : f32
    %max3A_1351 = vector.broadcast %max3A_1350 : f32 to vector<256x128xf32>
    %max3A_1352 = arith.maximumf %sub3A_1349, %max3A_1351 : vector<256x128xf32>
    %eq3A_1353 = arith.constant 0.000000e+00 : f32
    %eq3A_1354 = vector.broadcast %eq3A_1353 : f32 to vector<256x128xf32>
    %eq3A_1355 = arith.cmpf oeq, %max3A_1352, %eq3A_1354 : vector<256x128xf32>
    %rsqrt3A_1356 = math.rsqrt %max3A_1352 : vector<256x128xf32>
    %mul3A_1357 = arith.mulf %max3A_1352, %rsqrt3A_1356 : vector<256x128xf32>
    %jit3A_1358 = arith.constant 0.000000e+00 : f32
    %broadcast_in_dim3A_1359 = vector.broadcast %jit3A_1358 : f32 to vector<256x128xf32>
    %select_n3A_1360 = arith.select %eq3A_1355, %broadcast_in_dim3A_1359, %mul3A_1357 : vector<256x128xi1>, vector<256x128xf32>
    %lt3A_1361 = arith.cmpf olt, %select_n3A_1360, %select_n3A_1338 : vector<256x128xf32>
    %select_n3A_1362 = arith.select %lt3A_1361, %select_n3A_1360, %select_n3A_1338 : vector<256x128xi1>, vector<256x128xf32>
    %jit3A_1363 = arith.constant 9 : i32
    %broadcast_in_dim3A_1364 = vector.broadcast %jit3A_1363 : i32 to vector<256x128xi32>
    %select_n3A_1365 = arith.select %lt3A_1361, %broadcast_in_dim3A_1364, %select_n3A_1341 : vector<256x128xi1>, vector<256x128xi32>
    %get3A_1366 = arith.constant 0 : index
    %get3A_1367 = arith.constant 6912 : index
    %get3A_1368 = vector.load %arg4[%get3A_1366, %get3A_1367] : memref<1x8192xf32, #tpu.memory_space<vmem>>, vector<1x128xf32>
    %add3A_1369 = vector.broadcast %get3A_4 : vector<256x1xf32> to vector<256x128xf32>
    %add3A_1370 = vector.broadcast %get3A_1368 : vector<1x128xf32> to vector<256x128xf32>
    %add3A_1371 = arith.addf %add3A_1369, %add3A_1370 : vector<256x128xf32>
    %slice3A_1372 = vector.extract_strided_slice %dot_general3A_1128 {offsets = [0, 1280], sizes = [256, 128], strides = [1, 1]} : vector<256x2560xf32> to vector<256x128xf32>
    %sub3A_1373 = arith.subf %add3A_1371, %slice3A_1372 : vector<256x128xf32>
    %max3A_1374 = arith.constant 0.000000e+00 : f32
    %max3A_1375 = vector.broadcast %max3A_1374 : f32 to vector<256x128xf32>
    %max3A_1376 = arith.maximumf %sub3A_1373, %max3A_1375 : vector<256x128xf32>
    %eq3A_1377 = arith.constant 0.000000e+00 : f32
    %eq3A_1378 = vector.broadcast %eq3A_1377 : f32 to vector<256x128xf32>
    %eq3A_1379 = arith.cmpf oeq, %max3A_1376, %eq3A_1378 : vector<256x128xf32>
    %rsqrt3A_1380 = math.rsqrt %max3A_1376 : vector<256x128xf32>
    %mul3A_1381 = arith.mulf %max3A_1376, %rsqrt3A_1380 : vector<256x128xf32>
    %jit3A_1382 = arith.constant 0.000000e+00 : f32
    %broadcast_in_dim3A_1383 = vector.broadcast %jit3A_1382 : f32 to vector<256x128xf32>
    %select_n3A_1384 = arith.select %eq3A_1379, %broadcast_in_dim3A_1383, %mul3A_1381 : vector<256x128xi1>, vector<256x128xf32>
    %lt3A_1385 = arith.cmpf olt, %select_n3A_1384, %select_n3A_1362 : vector<256x128xf32>
    %select_n3A_1386 = arith.select %lt3A_1385, %select_n3A_1384, %select_n3A_1362 : vector<256x128xi1>, vector<256x128xf32>
    %jit3A_1387 = arith.constant 10 : i32
    %broadcast_in_dim3A_1388 = vector.broadcast %jit3A_1387 : i32 to vector<256x128xi32>
    %select_n3A_1389 = arith.select %lt3A_1385, %broadcast_in_dim3A_1388, %select_n3A_1365 : vector<256x128xi1>, vector<256x128xi32>
    %get3A_1390 = arith.constant 0 : index
    %get3A_1391 = arith.constant 7040 : index
    %get3A_1392 = vector.load %arg4[%get3A_1390, %get3A_1391] : memref<1x8192xf32, #tpu.memory_space<vmem>>, vector<1x128xf32>
    %add3A_1393 = vector.broadcast %get3A_4 : vector<256x1xf32> to vector<256x128xf32>
    %add3A_1394 = vector.broadcast %get3A_1392 : vector<1x128xf32> to vector<256x128xf32>
    %add3A_1395 = arith.addf %add3A_1393, %add3A_1394 : vector<256x128xf32>
    %slice3A_1396 = vector.extract_strided_slice %dot_general3A_1128 {offsets = [0, 1408], sizes = [256, 128], strides = [1, 1]} : vector<256x2560xf32> to vector<256x128xf32>
    %sub3A_1397 = arith.subf %add3A_1395, %slice3A_1396 : vector<256x128xf32>
    %max3A_1398 = arith.constant 0.000000e+00 : f32
    %max3A_1399 = vector.broadcast %max3A_1398 : f32 to vector<256x128xf32>
    %max3A_1400 = arith.maximumf %sub3A_1397, %max3A_1399 : vector<256x128xf32>
    %eq3A_1401 = arith.constant 0.000000e+00 : f32
    %eq3A_1402 = vector.broadcast %eq3A_1401 : f32 to vector<256x128xf32>
    %eq3A_1403 = arith.cmpf oeq, %max3A_1400, %eq3A_1402 : vector<256x128xf32>
    %rsqrt3A_1404 = math.rsqrt %max3A_1400 : vector<256x128xf32>
    %mul3A_1405 = arith.mulf %max3A_1400, %rsqrt3A_1404 : vector<256x128xf32>
    %jit3A_1406 = arith.constant 0.000000e+00 : f32
    %broadcast_in_dim3A_1407 = vector.broadcast %jit3A_1406 : f32 to vector<256x128xf32>
    %select_n3A_1408 = arith.select %eq3A_1403, %broadcast_in_dim3A_1407, %mul3A_1405 : vector<256x128xi1>, vector<256x128xf32>
    %lt3A_1409 = arith.cmpf olt, %select_n3A_1408, %select_n3A_1386 : vector<256x128xf32>
    %select_n3A_1410 = arith.select %lt3A_1409, %select_n3A_1408, %select_n3A_1386 : vector<256x128xi1>, vector<256x128xf32>
    %jit3A_1411 = arith.constant 11 : i32
    %broadcast_in_dim3A_1412 = vector.broadcast %jit3A_1411 : i32 to vector<256x128xi32>
    %select_n3A_1413 = arith.select %lt3A_1409, %broadcast_in_dim3A_1412, %select_n3A_1389 : vector<256x128xi1>, vector<256x128xi32>
    %get3A_1414 = arith.constant 0 : index
    %get3A_1415 = arith.constant 7168 : index
    %get3A_1416 = vector.load %arg4[%get3A_1414, %get3A_1415] : memref<1x8192xf32, #tpu.memory_space<vmem>>, vector<1x128xf32>
    %add3A_1417 = vector.broadcast %get3A_4 : vector<256x1xf32> to vector<256x128xf32>
    %add3A_1418 = vector.broadcast %get3A_1416 : vector<1x128xf32> to vector<256x128xf32>
    %add3A_1419 = arith.addf %add3A_1417, %add3A_1418 : vector<256x128xf32>
    %slice3A_1420 = vector.extract_strided_slice %dot_general3A_1128 {offsets = [0, 1536], sizes = [256, 128], strides = [1, 1]} : vector<256x2560xf32> to vector<256x128xf32>
    %sub3A_1421 = arith.subf %add3A_1419, %slice3A_1420 : vector<256x128xf32>
    %max3A_1422 = arith.constant 0.000000e+00 : f32
    %max3A_1423 = vector.broadcast %max3A_1422 : f32 to vector<256x128xf32>
    %max3A_1424 = arith.maximumf %sub3A_1421, %max3A_1423 : vector<256x128xf32>
    %eq3A_1425 = arith.constant 0.000000e+00 : f32
    %eq3A_1426 = vector.broadcast %eq3A_1425 : f32 to vector<256x128xf32>
    %eq3A_1427 = arith.cmpf oeq, %max3A_1424, %eq3A_1426 : vector<256x128xf32>
    %rsqrt3A_1428 = math.rsqrt %max3A_1424 : vector<256x128xf32>
    %mul3A_1429 = arith.mulf %max3A_1424, %rsqrt3A_1428 : vector<256x128xf32>
    %jit3A_1430 = arith.constant 0.000000e+00 : f32
    %broadcast_in_dim3A_1431 = vector.broadcast %jit3A_1430 : f32 to vector<256x128xf32>
    %select_n3A_1432 = arith.select %eq3A_1427, %broadcast_in_dim3A_1431, %mul3A_1429 : vector<256x128xi1>, vector<256x128xf32>
    %lt3A_1433 = arith.cmpf olt, %select_n3A_1432, %select_n3A_1410 : vector<256x128xf32>
    %select_n3A_1434 = arith.select %lt3A_1433, %select_n3A_1432, %select_n3A_1410 : vector<256x128xi1>, vector<256x128xf32>
    %jit3A_1435 = arith.constant 12 : i32
    %broadcast_in_dim3A_1436 = vector.broadcast %jit3A_1435 : i32 to vector<256x128xi32>
    %select_n3A_1437 = arith.select %lt3A_1433, %broadcast_in_dim3A_1436, %select_n3A_1413 : vector<256x128xi1>, vector<256x128xi32>
    %get3A_1438 = arith.constant 0 : index
    %get3A_1439 = arith.constant 7296 : index
    %get3A_1440 = vector.load %arg4[%get3A_1438, %get3A_1439] : memref<1x8192xf32, #tpu.memory_space<vmem>>, vector<1x128xf32>
    %add3A_1441 = vector.broadcast %get3A_4 : vector<256x1xf32> to vector<256x128xf32>
    %add3A_1442 = vector.broadcast %get3A_1440 : vector<1x128xf32> to vector<256x128xf32>
    %add3A_1443 = arith.addf %add3A_1441, %add3A_1442 : vector<256x128xf32>
    %slice3A_1444 = vector.extract_strided_slice %dot_general3A_1128 {offsets = [0, 1664], sizes = [256, 128], strides = [1, 1]} : vector<256x2560xf32> to vector<256x128xf32>
    %sub3A_1445 = arith.subf %add3A_1443, %slice3A_1444 : vector<256x128xf32>
    %max3A_1446 = arith.constant 0.000000e+00 : f32
    %max3A_1447 = vector.broadcast %max3A_1446 : f32 to vector<256x128xf32>
    %max3A_1448 = arith.maximumf %sub3A_1445, %max3A_1447 : vector<256x128xf32>
    %eq3A_1449 = arith.constant 0.000000e+00 : f32
    %eq3A_1450 = vector.broadcast %eq3A_1449 : f32 to vector<256x128xf32>
    %eq3A_1451 = arith.cmpf oeq, %max3A_1448, %eq3A_1450 : vector<256x128xf32>
    %rsqrt3A_1452 = math.rsqrt %max3A_1448 : vector<256x128xf32>
    %mul3A_1453 = arith.mulf %max3A_1448, %rsqrt3A_1452 : vector<256x128xf32>
    %jit3A_1454 = arith.constant 0.000000e+00 : f32
    %broadcast_in_dim3A_1455 = vector.broadcast %jit3A_1454 : f32 to vector<256x128xf32>
    %select_n3A_1456 = arith.select %eq3A_1451, %broadcast_in_dim3A_1455, %mul3A_1453 : vector<256x128xi1>, vector<256x128xf32>
    %lt3A_1457 = arith.cmpf olt, %select_n3A_1456, %select_n3A_1434 : vector<256x128xf32>
    %select_n3A_1458 = arith.select %lt3A_1457, %select_n3A_1456, %select_n3A_1434 : vector<256x128xi1>, vector<256x128xf32>
    %jit3A_1459 = arith.constant 13 : i32
    %broadcast_in_dim3A_1460 = vector.broadcast %jit3A_1459 : i32 to vector<256x128xi32>
    %select_n3A_1461 = arith.select %lt3A_1457, %broadcast_in_dim3A_1460, %select_n3A_1437 : vector<256x128xi1>, vector<256x128xi32>
    %get3A_1462 = arith.constant 0 : index
    %get3A_1463 = arith.constant 7424 : index
    %get3A_1464 = vector.load %arg4[%get3A_1462, %get3A_1463] : memref<1x8192xf32, #tpu.memory_space<vmem>>, vector<1x128xf32>
    %add3A_1465 = vector.broadcast %get3A_4 : vector<256x1xf32> to vector<256x128xf32>
    %add3A_1466 = vector.broadcast %get3A_1464 : vector<1x128xf32> to vector<256x128xf32>
    %add3A_1467 = arith.addf %add3A_1465, %add3A_1466 : vector<256x128xf32>
    %slice3A_1468 = vector.extract_strided_slice %dot_general3A_1128 {offsets = [0, 1792], sizes = [256, 128], strides = [1, 1]} : vector<256x2560xf32> to vector<256x128xf32>
    %sub3A_1469 = arith.subf %add3A_1467, %slice3A_1468 : vector<256x128xf32>
    %max3A_1470 = arith.constant 0.000000e+00 : f32
    %max3A_1471 = vector.broadcast %max3A_1470 : f32 to vector<256x128xf32>
    %max3A_1472 = arith.maximumf %sub3A_1469, %max3A_1471 : vector<256x128xf32>
    %eq3A_1473 = arith.constant 0.000000e+00 : f32
    %eq3A_1474 = vector.broadcast %eq3A_1473 : f32 to vector<256x128xf32>
    %eq3A_1475 = arith.cmpf oeq, %max3A_1472, %eq3A_1474 : vector<256x128xf32>
    %rsqrt3A_1476 = math.rsqrt %max3A_1472 : vector<256x128xf32>
    %mul3A_1477 = arith.mulf %max3A_1472, %rsqrt3A_1476 : vector<256x128xf32>
    %jit3A_1478 = arith.constant 0.000000e+00 : f32
    %broadcast_in_dim3A_1479 = vector.broadcast %jit3A_1478 : f32 to vector<256x128xf32>
    %select_n3A_1480 = arith.select %eq3A_1475, %broadcast_in_dim3A_1479, %mul3A_1477 : vector<256x128xi1>, vector<256x128xf32>
    %lt3A_1481 = arith.cmpf olt, %select_n3A_1480, %select_n3A_1458 : vector<256x128xf32>
    %select_n3A_1482 = arith.select %lt3A_1481, %select_n3A_1480, %select_n3A_1458 : vector<256x128xi1>, vector<256x128xf32>
    %jit3A_1483 = arith.constant 14 : i32
    %broadcast_in_dim3A_1484 = vector.broadcast %jit3A_1483 : i32 to vector<256x128xi32>
    %select_n3A_1485 = arith.select %lt3A_1481, %broadcast_in_dim3A_1484, %select_n3A_1461 : vector<256x128xi1>, vector<256x128xi32>
    %get3A_1486 = arith.constant 0 : index
    %get3A_1487 = arith.constant 7552 : index
    %get3A_1488 = vector.load %arg4[%get3A_1486, %get3A_1487] : memref<1x8192xf32, #tpu.memory_space<vmem>>, vector<1x128xf32>
    %add3A_1489 = vector.broadcast %get3A_4 : vector<256x1xf32> to vector<256x128xf32>
    %add3A_1490 = vector.broadcast %get3A_1488 : vector<1x128xf32> to vector<256x128xf32>
    %add3A_1491 = arith.addf %add3A_1489, %add3A_1490 : vector<256x128xf32>
    %slice3A_1492 = vector.extract_strided_slice %dot_general3A_1128 {offsets = [0, 1920], sizes = [256, 128], strides = [1, 1]} : vector<256x2560xf32> to vector<256x128xf32>
    %sub3A_1493 = arith.subf %add3A_1491, %slice3A_1492 : vector<256x128xf32>
    %max3A_1494 = arith.constant 0.000000e+00 : f32
    %max3A_1495 = vector.broadcast %max3A_1494 : f32 to vector<256x128xf32>
    %max3A_1496 = arith.maximumf %sub3A_1493, %max3A_1495 : vector<256x128xf32>
    %eq3A_1497 = arith.constant 0.000000e+00 : f32
    %eq3A_1498 = vector.broadcast %eq3A_1497 : f32 to vector<256x128xf32>
    %eq3A_1499 = arith.cmpf oeq, %max3A_1496, %eq3A_1498 : vector<256x128xf32>
    %rsqrt3A_1500 = math.rsqrt %max3A_1496 : vector<256x128xf32>
    %mul3A_1501 = arith.mulf %max3A_1496, %rsqrt3A_1500 : vector<256x128xf32>
    %jit3A_1502 = arith.constant 0.000000e+00 : f32
    %broadcast_in_dim3A_1503 = vector.broadcast %jit3A_1502 : f32 to vector<256x128xf32>
    %select_n3A_1504 = arith.select %eq3A_1499, %broadcast_in_dim3A_1503, %mul3A_1501 : vector<256x128xi1>, vector<256x128xf32>
    %lt3A_1505 = arith.cmpf olt, %select_n3A_1504, %select_n3A_1482 : vector<256x128xf32>
    %select_n3A_1506 = arith.select %lt3A_1505, %select_n3A_1504, %select_n3A_1482 : vector<256x128xi1>, vector<256x128xf32>
    %jit3A_1507 = arith.constant 15 : i32
    %broadcast_in_dim3A_1508 = vector.broadcast %jit3A_1507 : i32 to vector<256x128xi32>
    %select_n3A_1509 = arith.select %lt3A_1505, %broadcast_in_dim3A_1508, %select_n3A_1485 : vector<256x128xi1>, vector<256x128xi32>
    %get3A_1510 = arith.constant 0 : index
    %get3A_1511 = arith.constant 7680 : index
    %get3A_1512 = vector.load %arg4[%get3A_1510, %get3A_1511] : memref<1x8192xf32, #tpu.memory_space<vmem>>, vector<1x128xf32>
    %add3A_1513 = vector.broadcast %get3A_4 : vector<256x1xf32> to vector<256x128xf32>
    %add3A_1514 = vector.broadcast %get3A_1512 : vector<1x128xf32> to vector<256x128xf32>
    %add3A_1515 = arith.addf %add3A_1513, %add3A_1514 : vector<256x128xf32>
    %slice3A_1516 = vector.extract_strided_slice %dot_general3A_1128 {offsets = [0, 2048], sizes = [256, 128], strides = [1, 1]} : vector<256x2560xf32> to vector<256x128xf32>
    %sub3A_1517 = arith.subf %add3A_1515, %slice3A_1516 : vector<256x128xf32>
    %max3A_1518 = arith.constant 0.000000e+00 : f32
    %max3A_1519 = vector.broadcast %max3A_1518 : f32 to vector<256x128xf32>
    %max3A_1520 = arith.maximumf %sub3A_1517, %max3A_1519 : vector<256x128xf32>
    %eq3A_1521 = arith.constant 0.000000e+00 : f32
    %eq3A_1522 = vector.broadcast %eq3A_1521 : f32 to vector<256x128xf32>
    %eq3A_1523 = arith.cmpf oeq, %max3A_1520, %eq3A_1522 : vector<256x128xf32>
    %rsqrt3A_1524 = math.rsqrt %max3A_1520 : vector<256x128xf32>
    %mul3A_1525 = arith.mulf %max3A_1520, %rsqrt3A_1524 : vector<256x128xf32>
    %jit3A_1526 = arith.constant 0.000000e+00 : f32
    %broadcast_in_dim3A_1527 = vector.broadcast %jit3A_1526 : f32 to vector<256x128xf32>
    %select_n3A_1528 = arith.select %eq3A_1523, %broadcast_in_dim3A_1527, %mul3A_1525 : vector<256x128xi1>, vector<256x128xf32>
    %lt3A_1529 = arith.cmpf olt, %select_n3A_1528, %select_n3A_1506 : vector<256x128xf32>
    %select_n3A_1530 = arith.select %lt3A_1529, %select_n3A_1528, %select_n3A_1506 : vector<256x128xi1>, vector<256x128xf32>
    %jit3A_1531 = arith.constant 16 : i32
    %broadcast_in_dim3A_1532 = vector.broadcast %jit3A_1531 : i32 to vector<256x128xi32>
    %select_n3A_1533 = arith.select %lt3A_1529, %broadcast_in_dim3A_1532, %select_n3A_1509 : vector<256x128xi1>, vector<256x128xi32>
    %get3A_1534 = arith.constant 0 : index
    %get3A_1535 = arith.constant 7808 : index
    %get3A_1536 = vector.load %arg4[%get3A_1534, %get3A_1535] : memref<1x8192xf32, #tpu.memory_space<vmem>>, vector<1x128xf32>
    %add3A_1537 = vector.broadcast %get3A_4 : vector<256x1xf32> to vector<256x128xf32>
    %add3A_1538 = vector.broadcast %get3A_1536 : vector<1x128xf32> to vector<256x128xf32>
    %add3A_1539 = arith.addf %add3A_1537, %add3A_1538 : vector<256x128xf32>
    %slice3A_1540 = vector.extract_strided_slice %dot_general3A_1128 {offsets = [0, 2176], sizes = [256, 128], strides = [1, 1]} : vector<256x2560xf32> to vector<256x128xf32>
    %sub3A_1541 = arith.subf %add3A_1539, %slice3A_1540 : vector<256x128xf32>
    %max3A_1542 = arith.constant 0.000000e+00 : f32
    %max3A_1543 = vector.broadcast %max3A_1542 : f32 to vector<256x128xf32>
    %max3A_1544 = arith.maximumf %sub3A_1541, %max3A_1543 : vector<256x128xf32>
    %eq3A_1545 = arith.constant 0.000000e+00 : f32
    %eq3A_1546 = vector.broadcast %eq3A_1545 : f32 to vector<256x128xf32>
    %eq3A_1547 = arith.cmpf oeq, %max3A_1544, %eq3A_1546 : vector<256x128xf32>
    %rsqrt3A_1548 = math.rsqrt %max3A_1544 : vector<256x128xf32>
    %mul3A_1549 = arith.mulf %max3A_1544, %rsqrt3A_1548 : vector<256x128xf32>
    %jit3A_1550 = arith.constant 0.000000e+00 : f32
    %broadcast_in_dim3A_1551 = vector.broadcast %jit3A_1550 : f32 to vector<256x128xf32>
    %select_n3A_1552 = arith.select %eq3A_1547, %broadcast_in_dim3A_1551, %mul3A_1549 : vector<256x128xi1>, vector<256x128xf32>
    %lt3A_1553 = arith.cmpf olt, %select_n3A_1552, %select_n3A_1530 : vector<256x128xf32>
    %select_n3A_1554 = arith.select %lt3A_1553, %select_n3A_1552, %select_n3A_1530 : vector<256x128xi1>, vector<256x128xf32>
    %jit3A_1555 = arith.constant 17 : i32
    %broadcast_in_dim3A_1556 = vector.broadcast %jit3A_1555 : i32 to vector<256x128xi32>
    %select_n3A_1557 = arith.select %lt3A_1553, %broadcast_in_dim3A_1556, %select_n3A_1533 : vector<256x128xi1>, vector<256x128xi32>
    %get3A_1558 = arith.constant 0 : index
    %get3A_1559 = arith.constant 7936 : index
    %get3A_1560 = vector.load %arg4[%get3A_1558, %get3A_1559] : memref<1x8192xf32, #tpu.memory_space<vmem>>, vector<1x128xf32>
    %add3A_1561 = vector.broadcast %get3A_4 : vector<256x1xf32> to vector<256x128xf32>
    %add3A_1562 = vector.broadcast %get3A_1560 : vector<1x128xf32> to vector<256x128xf32>
    %add3A_1563 = arith.addf %add3A_1561, %add3A_1562 : vector<256x128xf32>
    %slice3A_1564 = vector.extract_strided_slice %dot_general3A_1128 {offsets = [0, 2304], sizes = [256, 128], strides = [1, 1]} : vector<256x2560xf32> to vector<256x128xf32>
    %sub3A_1565 = arith.subf %add3A_1563, %slice3A_1564 : vector<256x128xf32>
    %max3A_1566 = arith.constant 0.000000e+00 : f32
    %max3A_1567 = vector.broadcast %max3A_1566 : f32 to vector<256x128xf32>
    %max3A_1568 = arith.maximumf %sub3A_1565, %max3A_1567 : vector<256x128xf32>
    %eq3A_1569 = arith.constant 0.000000e+00 : f32
    %eq3A_1570 = vector.broadcast %eq3A_1569 : f32 to vector<256x128xf32>
    %eq3A_1571 = arith.cmpf oeq, %max3A_1568, %eq3A_1570 : vector<256x128xf32>
    %rsqrt3A_1572 = math.rsqrt %max3A_1568 : vector<256x128xf32>
    %mul3A_1573 = arith.mulf %max3A_1568, %rsqrt3A_1572 : vector<256x128xf32>
    %jit3A_1574 = arith.constant 0.000000e+00 : f32
    %broadcast_in_dim3A_1575 = vector.broadcast %jit3A_1574 : f32 to vector<256x128xf32>
    %select_n3A_1576 = arith.select %eq3A_1571, %broadcast_in_dim3A_1575, %mul3A_1573 : vector<256x128xi1>, vector<256x128xf32>
    %lt3A_1577 = arith.cmpf olt, %select_n3A_1576, %select_n3A_1554 : vector<256x128xf32>
    %select_n3A_1578 = arith.select %lt3A_1577, %select_n3A_1576, %select_n3A_1554 : vector<256x128xi1>, vector<256x128xf32>
    %jit3A_1579 = arith.constant 18 : i32
    %broadcast_in_dim3A_1580 = vector.broadcast %jit3A_1579 : i32 to vector<256x128xi32>
    %select_n3A_1581 = arith.select %lt3A_1577, %broadcast_in_dim3A_1580, %select_n3A_1557 : vector<256x128xi1>, vector<256x128xi32>
    %get3A_1582 = arith.constant 0 : index
    %get3A_1583 = arith.constant 8064 : index
    %get3A_1584 = vector.load %arg4[%get3A_1582, %get3A_1583] : memref<1x8192xf32, #tpu.memory_space<vmem>>, vector<1x128xf32>
    %add3A_1585 = vector.broadcast %get3A_4 : vector<256x1xf32> to vector<256x128xf32>
    %add3A_1586 = vector.broadcast %get3A_1584 : vector<1x128xf32> to vector<256x128xf32>
    %add3A_1587 = arith.addf %add3A_1585, %add3A_1586 : vector<256x128xf32>
    %slice3A_1588 = vector.extract_strided_slice %dot_general3A_1128 {offsets = [0, 2432], sizes = [256, 128], strides = [1, 1]} : vector<256x2560xf32> to vector<256x128xf32>
    %sub3A_1589 = arith.subf %add3A_1587, %slice3A_1588 : vector<256x128xf32>
    %max3A_1590 = arith.constant 0.000000e+00 : f32
    %max3A_1591 = vector.broadcast %max3A_1590 : f32 to vector<256x128xf32>
    %max3A_1592 = arith.maximumf %sub3A_1589, %max3A_1591 : vector<256x128xf32>
    %eq3A_1593 = arith.constant 0.000000e+00 : f32
    %eq3A_1594 = vector.broadcast %eq3A_1593 : f32 to vector<256x128xf32>
    %eq3A_1595 = arith.cmpf oeq, %max3A_1592, %eq3A_1594 : vector<256x128xf32>
    %rsqrt3A_1596 = math.rsqrt %max3A_1592 : vector<256x128xf32>
    %mul3A_1597 = arith.mulf %max3A_1592, %rsqrt3A_1596 : vector<256x128xf32>
    %jit3A_1598 = arith.constant 0.000000e+00 : f32
    %broadcast_in_dim3A_1599 = vector.broadcast %jit3A_1598 : f32 to vector<256x128xf32>
    %select_n3A_1600 = arith.select %eq3A_1595, %broadcast_in_dim3A_1599, %mul3A_1597 : vector<256x128xi1>, vector<256x128xf32>
    %lt3A_1601 = arith.cmpf olt, %select_n3A_1600, %select_n3A_1578 : vector<256x128xf32>
    %select_n3A_1602 = arith.select %lt3A_1601, %select_n3A_1600, %select_n3A_1578 : vector<256x128xi1>, vector<256x128xf32>
    %jit3A_1603 = arith.constant 19 : i32
    %broadcast_in_dim3A_1604 = vector.broadcast %jit3A_1603 : i32 to vector<256x128xi32>
    %select_n3A_1605 = arith.select %lt3A_1601, %broadcast_in_dim3A_1604, %select_n3A_1581 : vector<256x128xi1>, vector<256x128xi32>
    %mul3A_1606 = arith.constant 128 : i32
    %mul3A_1607 = vector.broadcast %mul3A_1606 : i32 to vector<256x128xi32>
    %mul3A_1608 = arith.muli %select_n3A_1605, %mul3A_1607 : vector<256x128xi32>
    %add3A_1609 = arith.constant 5632 : i32
    %add3A_1610 = vector.broadcast %add3A_1609 : i32 to vector<256x128xi32>
    %add3A_1611 = arith.addi %add3A_1610, %mul3A_1608 : vector<256x128xi32>
    %add3A_1612 = arith.addi %add3A_1611, %iota3A : vector<256x128xi32>
    %reduce_min3A_1613 = arith.constant dense<0x7F800000> : vector<256xf32>
    %reduce_min3A_1614 = vector.multi_reduction <minimumf>, %select_n3A_1602, %reduce_min3A_1613 [1] : vector<256x128xf32> to vector<256xf32>
    %broadcast_in_dim3A_1615 = vector.shape_cast %reduce_min3A_1614 : vector<256xf32> to vector<256x1xf32>
    %eq3A_1616 = vector.broadcast %broadcast_in_dim3A_1615 : vector<256x1xf32> to vector<256x128xf32>
    %eq3A_1617 = arith.cmpf oeq, %select_n3A_1602, %eq3A_1616 : vector<256x128xf32>
    %jit3A_1618 = arith.constant 8192 : i32
    %broadcast_in_dim3A_1619 = vector.broadcast %jit3A_1618 : i32 to vector<256x128xi32>
    %select_n3A_1620 = arith.select %eq3A_1617, %add3A_1612, %broadcast_in_dim3A_1619 : vector<256x128xi1>, vector<256x128xi32>
    %reduce_min3A_1621 = arith.constant dense<2147483647> : vector<256xi32>
    %reduce_min3A_1622 = vector.multi_reduction <minsi>, %select_n3A_1620, %reduce_min3A_1621 [1] : vector<256x128xi32> to vector<256xi32>
    %broadcast_in_dim3A_1623 = vector.shape_cast %reduce_min3A_1622 : vector<256xi32> to vector<256x1xi32>
    %lt3A_1624 = arith.cmpf olt, %broadcast_in_dim3A_1615, %bitcast_convert_type3A_1123 : vector<256x1xf32>
    %eq3A_1625 = arith.cmpf oeq, %broadcast_in_dim3A_1615, %bitcast_convert_type3A_1123 : vector<256x1xf32>
    %lt3A_1626 = arith.cmpi slt, %broadcast_in_dim3A_1623, %select_n3A_1107 : vector<256x1xi32>
    %and3A_1627 = arith.andi %eq3A_1625, %lt3A_1626 : vector<256x1xi1>
    %or3A_1628 = arith.ori %lt3A_1624, %and3A_1627 : vector<256x1xi1>
    %select_n3A_1629 = arith.select %or3A_1628, %broadcast_in_dim3A_1623, %select_n3A_1107 : vector<256x1xi1>, vector<256x1xi32>
    %swap3A = arith.constant 0 : index
    %swap3A_1630 = arith.constant 0 : index
    %swap3A_1631 = vector.load %arg5[%swap3A, %swap3A_1630] : memref<256x1xi32, #tpu.memory_space<vmem>>, vector<256x1xi32>
    tpu.vector_store %arg5[%swap3A, %swap3A_1630], %select_n3A_1629 {strides = array<i32>} : memref<256x1xi32, #tpu.memory_space<vmem>>, vector<256x1xi32>,
    return
  }
  func.func @transform_0(%arg0: i32) -> (i32, i32) {
    %c0_i32 = arith.constant 0 : i32
    %c0_i32_0 = arith.constant 0 : i32
    return %arg0, %c0_i32 : i32, i32
  }
  func.func @transform_1(%arg0: i32) -> (i32, i32) {
    %c0_i32 = arith.constant 0 : i32
    %c0_i32_0 = arith.constant 0 : i32
    return %arg0, %c0_i32 : i32, i32
  }
  func.func @transform_2(%arg0: i32) -> (i32, i32) {
    %c0_i32 = arith.constant 0 : i32
    %c0_i32_0 = arith.constant 0 : i32
    %c0_i32_1 = arith.constant 0 : i32
    return %c0_i32, %c0_i32_0 : i32, i32
  }
  func.func @transform_3(%arg0: i32) -> (i32, i32) {
    %c0_i32 = arith.constant 0 : i32
    %c0_i32_0 = arith.constant 0 : i32
    %c0_i32_1 = arith.constant 0 : i32
    return %c0_i32, %c0_i32_0 : i32, i32
  }
  func.func @transform_4(%arg0: i32) -> (i32, i32) {
    %c0_i32 = arith.constant 0 : i32
    %c0_i32_0 = arith.constant 0 : i32
    return %arg0, %c0_i32 : i32, i32
  }
}

</mosaic_0001>

<sc_bundles>
// kernel: kernel.4.cloned.1.call-start
scs
__scs_entry_jumppad:
0x0: {  	(pc) =	sbr.rel $0x88, $3  }
0x1: {  	(tag) =	ssettag $0x0;
	lr =	simm.s32 $0x1  }
0x2: {  	[smem:$0x3F9F] =	sst lr;
	_ =	strace $0xD0000000  }
0x3: {  	_ = 	snop  }
0x4: {  	_ = 	snop  }
0x5: {  	_ = 	snop  }
0x6: {  	_ = 	snop  }
0x7: {  	_ = 	snop  }
__scs_overlays_trampoline_lowered:
0x8: {  	[smem:$0x3FAE] =	sst s0  }
0x9: {  	[smem:$0x3FAF] =	sst s1  }
0xa: {  	[smem:$0x3FB0] =	sst s2  }
0xb: {  	[smem:$0x3FB1] =	sst s3  }
0xc: {  	[smem:$0x3FB2] =	sst s4  }
0xd: {  	[smem:$0x3FB3] =	sst s5  }
0xe: {  	[smem:$0x3FB4] =	sst s6  }
0xf: {  	[smem:$0x3FB5] =	sst s7  }
0x10: {  	[smem:$0x3FB6] =	sst s8  }
0x11: {  	[smem:$0x3FB7] =	sst s9;
	s0 =	simm.s32 @!p0 $0x0  }
0x12: {  	s1 =	sld [smem:$0x3F9D];
	s0 =	simm.s32 @p0 $0x1  }
0x13: {  	[smem:$0x3FB8] =	sst s0;
	s0 =	simm.s32 @!p1 $0x0  }
0x14: {  	s2 =	sld [smem:$0x3F9C];
	s0 =	simm.s32 @p1 $0x1  }
0x15: {  	[smem:$0x3FB9] =	sst s0;
	s0 =	simm.s32 @!p2 $0x0  }
0x16: {  	s3 =	sld [smem:$0x3FDB];
	s0 =	simm.s32 @p2 $0x1  }
0x17: {  	s4 =	simm.s32 $0x1BF5;
	[smem:$0x3FBB] =	sst s0  }
0x18: {  	s0 =	sld [smem:$0x3F9E];
	_ =	swait.ge [sflag:s4], $0x0  }
0x19: {  	s7 =	sld [smem:$0x3F9F]  }
0x1a: {  	s8 =	sadd.s32 $0xFFFFE003, lr  }
0x1b: {  	s9 =	sadd.s32 $0xFFFFFEF7, lr;
	s5 =	simm.s32 $0xFFFFFFFF;
	p2 =	slt.u32 s8, $0xFFFFF086  }
0x1c: {  	p1 =	slt.u32 s9, $0xF7A;
	s5 =	simm.s32 @!p2 $0x0  }
0x1d: {  	s5 =	simm.s32 @p1 $0x1;
	p0 =	seq.s32 s7, s2  }
0x1e: {  	s7 =	smul.u32 @!p0 $0xF7A, s2;
	p2 =	seq.s32 @!p0 s5, $0x0  }
0x1f: {  	s9 =	smul.u32 $0xF7A, s1;
	s8 =	simm.s32 @!p0 $0x1BF5;
	p2 =	por !p2, p0  }
0x20: {  	[sflag:s8] =	ssyncset.s32 @!p0 $0xFFFFF086;
	s6 =	sadd.s32 @!p0 s3, s7;
	s7 =	simm.s32 @!p0 $0x108  }
0x21: {  	s3 =	sadd.s32 s3, s9;
	s6 =	sadd.s32 @!p0 $0x88, s6;
	s7 =	simm.s32 @p2 $0x1082  }
0x22: {  	[simem:s7], [sflag:s8] =	dma.local @!p0 [hbm:s6], $0xF7A  }
0x23: {  	s9 =	sor.u32 $0xD0000000, s2;
	s6 =	simm.s32 $0x108;
	_ =	swait.ge @!p0 [sflag:s8], $0x0  }
0x24: {  	s3 =	sadd.s32 $0x88, s3;
	s6 =	simm.s32 @!p1 $0x1082;
	[sflag:s4] =	ssyncset.s32 $0xFFFFF086  }
0x25: {  	[simem:s6], [sflag:s4] =	dma.local [hbm:s3], $0xF7A  }
0x26: {  	[smem:$0x3F9F] =	sst s1;
	(tag) =	ssettag s2;
	_ =	strace s9  }
0x27: {  	s1 =	sld [smem:$0x3FAF]  }
0x28: {  	s2 =	sld [smem:$0x3FB0]  }
0x29: {  	s4 =	sld [smem:$0x3FB2]  }
0x2a: {  	p0 =	seq.s32 s5, $0x0;
	s5 =	sld [smem:$0x3FB3]  }
0x2b: {  	s6 =	sld [smem:$0x3FB4]  }
0x2c: {  	s7 =	sld [smem:$0x3FB5]  }
0x2d: {  	s3 =	simm.s32 $0x108;
	s8 =	sld [smem:$0x3FB6]  }
0x2e: {  	s3 =	simm.s32 @!p0 $0x1082;
	s9 =	sld [smem:$0x3FB7]  }
0x2f: {  	lr =	sadd.s32 s0, s3;
	s0 =	sld [smem:$0x3FAE]  }
0x30: {  	s3 =	sld [smem:$0x3FB1]  }
0x31: {  	[smem:$0x3FBA] =	sst s10  }
0x32: {  	s10 =	sld [smem:$0x3FB8];
	_ =	sdelay $0x3  }
0x33: {  	p0 =	seq.s32 s10, $0x1;
	s10 =	sld [smem:$0x3FBA];
	_ =	sdelay $0x3  }
0x34: {  	[smem:$0x3FBA] =	sst s10  }
0x35: {  	s10 =	sld [smem:$0x3FB9];
	_ =	sdelay $0x3  }
0x36: {  	p1 =	seq.s32 s10, $0x1;
	s10 =	sld [smem:$0x3FBA];
	_ =	sdelay $0x3  }
0x37: {  	[smem:$0x3FBA] =	sst s10  }
0x38: {  	s10 =	sld [smem:$0x3FBB]  }
0x39: {  	_ = 	snop;
	(pc) =	sbr.ind lr, $3  }
0x3a: {  	_ = 	snop  }
0x3b: {  	_ = 	snop  }
0x3c: {  	p2 =	seq.s32 s10, $0x1;
	s10 =	sld [smem:$0x3FBA]  }
0x3d: {  	_ =	shalt  }
0x3e: {  	_ =	shalt  }
0x3f: {  	_ =	shalt  }
0x40: {  	_ =	shalt  }
0x41: {  	_ =	shalt  }
0x42: {  	_ =	shalt  }
0x43: {  	_ =	shalt  }
0x44: {  	_ =	shalt  }
0x45: {  	_ =	shalt  }
0x46: {  	_ =	shalt  }
0x47: {  	_ =	shalt  }
0x48: {  	_ =	shalt  }
0x49: {  	_ =	shalt  }
0x4a: {  	_ =	shalt  }
0x4b: {  	_ =	shalt  }
0x4c: {  	_ =	shalt  }
0x4d: {  	_ =	shalt  }
0x4e: {  	_ =	shalt  }
0x4f: {  	_ =	shalt  }
0x50: {  	_ =	shalt  }
0x51: {  	_ =	shalt  }
0x52: {  	_ =	shalt  }
0x53: {  	_ =	shalt  }
0x54: {  	_ =	shalt  }
0x55: {  	_ =	shalt  }
0x56: {  	_ =	shalt  }
0x57: {  	_ =	shalt  }
0x58: {  	_ =	shalt  }
0x59: {  	_ =	shalt  }
0x5a: {  	_ =	shalt  }
0x5b: {  	_ =	shalt  }
0x5c: {  	_ =	shalt  }
0x5d: {  	_ =	shalt  }
0x5e: {  	_ =	shalt  }
0x5f: {  	_ =	shalt  }
0x60: {  	_ =	shalt  }
0x61: {  	_ =	shalt  }
0x62: {  	_ =	shalt  }
0x63: {  	_ =	shalt  }
0x64: {  	_ =	shalt  }
0x65: {  	_ =	shalt  }
0x66: {  	_ =	shalt  }
0x67: {  	_ =	shalt  }
0x68: {  	_ =	shalt  }
0x69: {  	_ =	shalt  }
0x6a: {  	_ =	shalt  }
0x6b: {  	_ =	shalt  }
0x6c: {  	_ =	shalt  }
0x6d: {  	_ =	shalt  }
0x6e: {  	_ =	shalt  }
0x6f: {  	_ =	shalt  }
0x70: {  	_ =	shalt  }
0x71: {  	_ =	shalt  }
0x72: {  	_ =	shalt  }
0x73: {  	_ =	shalt  }
0x74: {  	_ =	shalt  }
0x75: {  	_ =	shalt  }
0x76: {  	_ =	shalt  }
0x77: {  	_ =	shalt  }
0x78: {  	_ =	shalt  }
0x79: {  	_ =	shalt  }
0x7a: {  	_ =	shalt  }
0x7b: {  	_ =	shalt  }
0x7c: {  	_ =	shalt  }
0x7d: {  	_ =	shalt  }
0x7e: {  	_ =	shalt  }
0x7f: {  	_ =	shalt  }
0x80: {  	_ =	shalt  }
0x81: {  	_ =	shalt  }
0x82: {  	_ =	shalt  }
0x83: {  	_ =	shalt  }
0x84: {  	_ =	shalt  }
0x85: {  	_ =	shalt  }
0x86: {  	_ =	shalt  }
0x87: {  	_ =	shalt  }
.Lfunc_end0:
.L_simem_size_0:
called_computation_lowered:
.L_overlay_start_0:
0x88: {  	s2 =	sld [smem:$0x3FD9]  }
0x89: {  	s3 =	sld [smem:$0x3FFE];
	_ =	sdelay $0x1  }
0x8a: {  	s1 =	srdreg.scid  }
0x8b: {  	s0 =	sand.u32 $0x1, s1  }
0x8c: {  	s17 =	sshll.u32 s0, $0xA;
	s2 =	sadd.s32 s3, s2  }
0x8d: {  	s2 =	sadd.s32 s2, s17  }
0x8e: {  	[smem:$0x3FC6] =	sst s2  }
0x8f: {  	_ = 	snop  }
0x90: {  	s2 =	sld [smem:$0x3FC8]  }
0x91: {  	s18 =	sld [smem:$0x3FD0];
	(tm) =	ssettm $0x1  }
0x92: {  	s4 =	sld [smem:$0x3FFB];
	_ =	sdelay $0x3  }
0x93: {  	_ =	strace s4  }
0x94: {  	s4 =	sld [smem:$0x3FFC];
	_ =	sdelay $0x3  }
0x95: {  	_ =	strace s4  }
0x96: {  	s4 =	sld [smem:$0x3FFD];
	_ =	sdelay $0x3  }
0x97: {  	_ =	strace s4  }
0x98: {  	_ =	strace $0x8FFFFFFF  }
0x99: {  	s19 =	sld [smem:$0x3FDB];
	_ =	sdelay $0x1  }
0x9a: {  	s5 =	simm.s32 $_scs_section_size  }
0x9b: {  	s6 =	simm.s32 $_size__tile_overlayer_lowered;
	s7 =	simm.s32 $_tile_overlayer_lowered  }
0x9c: {  	s22 =	simm.s32 $0x1BFF;
	s21 =	sshll.u32 s7, $0x1;
	s4 =	sadd.s32 s5, s19  }
0x9d: {  	s8 =	simm.s32 $0x0;
	s20 =	sshll.u32 s6, $0x1;
	s6 =	sadd.s32 s21, s4  }
0x9e: {  	[timem:s8], [sflag:s22] =	dma.local [hbm:s6], s20  }
0x9f: {  	_ =	swait.ge [sflag:s22], s20  }
0xa0: {  	s5 =	ssub.s32 $0x0, s20;
	[sflag:s22] =	ssyncset.done $0x0  }
0xa1: {  	[sflag:s22] =	ssyncadd.s32 s5;
	_ =	sdelay $0x1  }
0xa2: {  	s23 =	simm.s32 $0x1B8B  }
0xa3: {  	_ =	swait.ge [sflag:s23], $0x1  }
0xa4: {  	[sflag:s23] =	ssyncset.done $0x0  }
0xa5: {  	s25 =	simm.s32 $0x1B8E;
	s24 =	sld [smem:$0x3FFE];
	[sflag:s23] =	ssyncadd.s32 $0xFFFFFFFF  }
0xa6: {  	s26 =	simm.s32 $execute0_lowered;
	[smem:$0x3FD2] =	sst s25  }
0xa7: {  	s6 =	sshll.u32 s26, $0x1;
	_ =	strace $0x80000046;
	[dreg:$0x1] =	wrdreg $0xFFFFFFFF  }
0xa8: {  	s28 =	simm.s32 $_size_execute0_lowered;
	s4 =	sadd.s32 s4, s6;
	[dreg:$0x0] =	wrdreg $0x0  }
0xa9: {  	s6 =	sshll.u32 s28, $0x1;
	[dreg:$0x2] =	wrdreg s4  }
0xaa: {  	[dreg:$0x3] =	wrdreg s6  }
0xab: {  	[dreg:$0x4] =	wrdreg $0xC0  }
0xac: {  	_ =	task [dreg:s8], $0x5FFFF  }
0xad: {  	[dreg:$0x1] =	wrdreg $0xFFFFFFFF  }
0xae: {  	[dreg:$0x0] =	wrdreg $0x60  }
0xaf: {  	[dreg:$0x2] =	wrdreg s24  }
0xb0: {  	[dreg:$0x3] =	wrdreg s2  }
0xb1: {  	[dreg:$0x4] =	wrdreg s18  }
0xb2: {  	[dreg:$0x5] =	wrdreg $0x9  }
0xb3: {  	_ =	task.clear_ibuf [dreg:s8], $0x6FFFF;
	_ =	strace $0x90000046  }
0xb4: {  	s29 =	simm.s32 $0x9;
	_ =	strace $0x80000048  }
0xb5: {  	_ =	swait.ge [sflag:s29], $0x1  }
0xb6: {  	[sflag:s29] =	ssyncadd.s32 $0xFFFFFFFF  }
0xb7: {  	_ =	strace $0x90000048  }
0xb8: {  	_ =	sfence  }
0xb9: {  	s30 =	sld [smem:$0x0];
	_ =	sdelay $0x2  }
0xba: {  	s31 =	sshll.u32 s1, $0xD;
	s1 =	sshrl.u32 s1, $0x2  }
0xbb: {  	s3 =	sand.u32 $0x4000, s31;
	s1 =	sadd.s32 s1, s30  }
0xbc: {  	s0 =	sor.u32 s3, s0;
	s1 =	sshll.u32 s1, $0x11  }
0xbd: {  	s0 =	sor.u32 s1, s0  }
0xbe: {  	s0 =	sadd.s32 $0x8F2B, s0  }
0xbf: {  	[sflag:s0] =	ssyncadd.remote.s32 $0x1  }
0xc0: {  	_ =	sfence.sel $0xFFFF  }
0xc1: {  	[dreg:$0x0] =	wrdreg $0xFFFFFFFF;
	(pc) =	sbr.abs _section_cstart, $3  }
0xc2: {  	[dreg:$0x1] =	wrdreg $0xFFFFFFFF  }
0xc3: {  	_ =	task.clear_ibuf [dreg:s8], $0x2FFFF;
	_ =	strace $0x9FFFFFFF  }
0xc4: {  	(tm) =	ssettm $0x7FFFFFFF  }
0xc5: {  	_ =	shalt  }
tec
execute0_lowered:
.L_overlay_start_1:
0x0: {  	(tag) =	ssettag $0x1  }
0x1: {  	s0 =	rddreg [dreg:$0x0]  }
0x2: {  	s1 =	srdreg.scid;
	s2 =	rddreg [dreg:$0x1]  }
0x3: {  	s3 =	stileid.u32;
	s4 =	rddreg [dreg:$0x2]  }
0x4: {  	s7 =	simm.s32 $0x2;
	s17 =	simm.s32 $0x1200;
	s18 =	simm.s32 $0x1A00  }
0x5: {  	s19 =	simm.s32 $0x2200;
	s20 =	simm.s32 $0x2A00;
	s21 =	simm.s32 $0x3200  }
0x6: {  	s22 =	simm.s32 $0x3A00;
	s28 =	simm.s32 $0x5200;
	s29 =	simm.s32 $0x5A00  }
0x7: {  	s30 =	simm.s32 $0x6200;
	s31 =	simm.s32 $0x6A00;
	s8 =	simm.s32 $0x8A00  }
0x8: {  	s9 =	simm.s32 $0x9200;
	s10 =	simm.s32 $0x9A00;
	s11 =	simm.s32 $0xA200  }
0x9: {  	s13 =	simm.s32 $0xB200;
	s14 =	simm.s32 $0xBA00;
	s1 =	sand.u32 $0x1, s1  }
0xa: {  	s5 =	sshll.u32 s3, $0xA;
	s3 =	simm.s32 $0x0;
	s6 =	sshll.u32 s1, $0x9  }
0xb: {  	s15 =	simm.s32 $0x200;
	[smem:$0x7FF] =	sst s3;
	s5 =	sor.u32 s6, s5  }
0xc: {  	s1 =	ssub.s32 $0x2, s1;
	_ =	strace $0x80000047;
	s6 =	sshrl.u32 s5, $0x3  }
0xd: {  	s25 =	sshrl.u32 s1, $0x1;
	s5 =	sshll.u32 s5, $0x5;
	s0 =	sadd.s32 s0, s6  }
0xe: {  	s1 =	ssub.s32 s1, s25;
	s4 =	sadd.s32 s4, s5;
	[dreg:$0x4] =	wrdreg s0  }
0xf: {  	s25 =	simm.s32 $0x4200;
	s23 =	sadd.s32 $0x1000, s4;
	[dreg:$0x8] =	wrdreg s4  }
0x10: {  	s5 =	smax.u32 s1, $0x1;
	s24 =	sadd.s32 $0x2000, s4;
	[dreg:$0x5] =	wrdreg s23  }
0x11: {  	v2 =	vlaneseq.u32;
	s6 =	simm.s32 $0x3;
	s26 =	sadd.s32 $0x3000, s4;
	[dreg:$0x6] =	wrdreg s24  }
0x12: {  	vm0 =	vmmov $0xffff;
	v1 =	vshrl.u32 v2, $0x3;
	s1 =	simm.s32 $0x7200;
	s4 =	simm.s32 $0x7A00;
	[dreg:$0x7] =	wrdreg s26  }
0x13: {  	v0 =	vand.u32 $0x7, v2;
	v2 =	vor.u32 $0x8, v2;
	v1 =	vmul.u32 $0x8, v1;
	s26 =	simm.s32 $0x4A00;
	s23 =	simm.s32 $0x8200;
	s24 =	simm.s32 $0xCA00  }
.LBB2_1:
0x14: {  	s16 =	rddreg [dreg:$0x4]  }
0x15: {  	[tilespmem:s3], [sflag:$0x3] =	stream.linear.gather [hbm4b:s16+s3], $0x200, $0x38;
	[tilespmem:$0x10200] =	vst v63  }
0x16: {  	_ =	swait.ge [sflag:s6], $0x200  }
0x17: {  	[sflag:s6] =	ssyncset.done $0x0  }
0x18: {  	[sflag:s6] =	ssyncadd.s32 $0xFFFFFE00  }
0x19: {  	v3 =	vld [tilespmem:$0x0];
	_ =	sdelay $0x4  }
0x1a: {  	v4 =	vshll.u32 v3, $0x1  }
0x1b: {  	v3 =	vand.u32 $0x7, v3;
	v4 =	vand.u32 $0xFFFFFFF0, v4  }
0x1c: {  	v3 =	vor.u32 v3, v4  }
0x1d: {  	v4 =	vperm.xlane v3, v0;
	_ =	sdelay $0x1  }
0x1e: {  	v3 =	vperm.xlane v3, v2;
	v4 =	vadd.s32 v1, v4;
	_ =	sdelay $0x1  }
0x1f: {  	v3 =	vadd.s32 v1, v3;
	_ =	sdelay $0x1  }
0x20: {  	s0 =	simm.s32 $0x200  }
0x21: {  	[tilespmem:s0], [sflag:$0x1] =	stream.indirect_vreg.gather [hbm4b:s2+s3], $0x80, v4, vm0, $0xb8;
	[tilespmem:$0x10200] =	vst v63  }
0x22: {  	s16 =	simm.s32 $0xA00  }
0x23: {  	[tilespmem:s16], [sflag:$0x1] =	stream.indirect_vreg.gather [hbm4b:s2+s3], $0x80, v3, vm0, $0xb8;
	[tilespmem:$0x10200] =	vst v63  }
0x24: {  	v3 =	vld [tilespmem:$0x10];
	_ =	sdelay $0x4  }
0x25: {  	v33 =	vshll.u32 v3, $0x1  }
0x26: {  	v3 =	vand.u32 $0x7, v3;
	v4 =	vand.u32 $0xFFFFFFF0, v33  }
0x27: {  	v3 =	vor.u32 v3, v4  }
0x28: {  	v4 =	vperm.xlane v3, v0;
	_ =	sdelay $0x1  }
0x29: {  	v3 =	vperm.xlane v3, v2;
	v4 =	vadd.s32 v1, v4;
	_ =	sdelay $0x1  }
0x2a: {  	v3 =	vadd.s32 v1, v3;
	_ =	sdelay $0x2  }
0x2b: {  	[tilespmem:s17], [sflag:$0x1] =	stream.indirect_vreg.gather [hbm4b:s2+s3], $0x80, v4, vm0, $0xb8;
	[tilespmem:$0x10200] =	vst v63  }
0x2c: {  	_ = 	snop  }
0x2d: {  	[tilespmem:s18], [sflag:$0x1] =	stream.indirect_vreg.gather [hbm4b:s2+s3], $0x80, v3, vm0, $0xb8;
	[tilespmem:$0x10200] =	vst v63  }
0x2e: {  	v3 =	vld [tilespmem:$0x20];
	_ =	sdelay $0x4  }
0x2f: {  	v34 =	vshll.u32 v3, $0x1  }
0x30: {  	v3 =	vand.u32 $0x7, v3;
	v4 =	vand.u32 $0xFFFFFFF0, v34  }
0x31: {  	v3 =	vor.u32 v3, v4  }
0x32: {  	v4 =	vperm.xlane v3, v0;
	_ =	sdelay $0x1  }
0x33: {  	v3 =	vperm.xlane v3, v2;
	v4 =	vadd.s32 v1, v4;
	_ =	sdelay $0x1  }
0x34: {  	v3 =	vadd.s32 v1, v3;
	_ =	sdelay $0x2  }
0x35: {  	[tilespmem:s19], [sflag:$0x1] =	stream.indirect_vreg.gather [hbm4b:s2+s3], $0x80, v4, vm0, $0xb8;
	[tilespmem:$0x10200] =	vst v63  }
0x36: {  	_ = 	snop  }
0x37: {  	[tilespmem:s20], [sflag:$0x1] =	stream.indirect_vreg.gather [hbm4b:s2+s3], $0x80, v3, vm0, $0xb8;
	[tilespmem:$0x10200] =	vst v63  }
0x38: {  	v3 =	vld [tilespmem:$0x30];
	_ =	sdelay $0x4  }
0x39: {  	v35 =	vshll.u32 v3, $0x1  }
0x3a: {  	v3 =	vand.u32 $0x7, v3;
	v4 =	vand.u32 $0xFFFFFFF0, v35  }
0x3b: {  	v3 =	vor.u32 v3, v4  }
0x3c: {  	v4 =	vperm.xlane v3, v0;
	_ =	sdelay $0x1  }
0x3d: {  	v3 =	vperm.xlane v3, v2;
	v4 =	vadd.s32 v1, v4;
	_ =	sdelay $0x1  }
0x3e: {  	v3 =	vadd.s32 v1, v3;
	_ =	sdelay $0x2  }
0x3f: {  	[tilespmem:s21], [sflag:$0x1] =	stream.indirect_vreg.gather [hbm4b:s2+s3], $0x80, v4, vm0, $0xb8;
	[tilespmem:$0x10200] =	vst v63  }
0x40: {  	_ = 	snop  }
0x41: {  	[tilespmem:s22], [sflag:$0x1] =	stream.indirect_vreg.gather [hbm4b:s2+s3], $0x80, v3, vm0, $0xb8;
	[tilespmem:$0x10200] =	vst v63  }
0x42: {  	v3 =	vld [tilespmem:$0x40];
	_ =	sdelay $0x4  }
0x43: {  	v36 =	vshll.u32 v3, $0x1  }
0x44: {  	v3 =	vand.u32 $0x7, v3;
	v4 =	vand.u32 $0xFFFFFFF0, v36  }
0x45: {  	v3 =	vor.u32 v3, v4  }
0x46: {  	v4 =	vperm.xlane v3, v0;
	_ =	sdelay $0x1  }
0x47: {  	v3 =	vperm.xlane v3, v2;
	v4 =	vadd.s32 v1, v4;
	_ =	sdelay $0x1  }
0x48: {  	v3 =	vadd.s32 v1, v3;
	_ =	sdelay $0x2  }
0x49: {  	[tilespmem:s25], [sflag:$0x1] =	stream.indirect_vreg.gather [hbm4b:s2+s3], $0x80, v4, vm0, $0xb8;
	[tilespmem:$0x10200] =	vst v63  }
0x4a: {  	_ = 	snop  }
0x4b: {  	[tilespmem:s26], [sflag:$0x1] =	stream.indirect_vreg.gather [hbm4b:s2+s3], $0x80, v3, vm0, $0xb8;
	[tilespmem:$0x10200] =	vst v63  }
0x4c: {  	v3 =	vld [tilespmem:$0x50];
	_ =	sdelay $0x4  }
0x4d: {  	v37 =	vshll.u32 v3, $0x1  }
0x4e: {  	v3 =	vand.u32 $0x7, v3;
	v4 =	vand.u32 $0xFFFFFFF0, v37  }
0x4f: {  	v3 =	vor.u32 v3, v4  }
0x50: {  	v4 =	vperm.xlane v3, v0;
	_ =	sdelay $0x1  }
0x51: {  	v3 =	vperm.xlane v3, v2;
	v4 =	vadd.s32 v1, v4;
	_ =	sdelay $0x1  }
0x52: {  	v3 =	vadd.s32 v1, v3;
	_ =	sdelay $0x2  }
0x53: {  	[tilespmem:s28], [sflag:$0x1] =	stream.indirect_vreg.gather [hbm4b:s2+s3], $0x80, v4, vm0, $0xb8;
	[tilespmem:$0x10200] =	vst v63  }
0x54: {  	_ = 	snop  }
0x55: {  	[tilespmem:s29], [sflag:$0x1] =	stream.indirect_vreg.gather [hbm4b:s2+s3], $0x80, v3, vm0, $0xb8;
	[tilespmem:$0x10200] =	vst v63  }
0x56: {  	v3 =	vld [tilespmem:$0x60];
	_ =	sdelay $0x4  }
0x57: {  	v38 =	vshll.u32 v3, $0x1  }
0x58: {  	v3 =	vand.u32 $0x7, v3;
	v4 =	vand.u32 $0xFFFFFFF0, v38  }
0x59: {  	v3 =	vor.u32 v3, v4  }
0x5a: {  	v4 =	vperm.xlane v3, v0;
	_ =	sdelay $0x1  }
0x5b: {  	v3 =	vperm.xlane v3, v2;
	v4 =	vadd.s32 v1, v4;
	_ =	sdelay $0x1  }
0x5c: {  	v3 =	vadd.s32 v1, v3;
	_ =	sdelay $0x2  }
0x5d: {  	[tilespmem:s30], [sflag:$0x1] =	stream.indirect_vreg.gather [hbm4b:s2+s3], $0x80, v4, vm0, $0xb8;
	[tilespmem:$0x10200] =	vst v63  }
0x5e: {  	_ = 	snop  }
0x5f: {  	[tilespmem:s31], [sflag:$0x1] =	stream.indirect_vreg.gather [hbm4b:s2+s3], $0x80, v3, vm0, $0xb8;
	[tilespmem:$0x10200] =	vst v63  }
0x60: {  	v3 =	vld [tilespmem:$0x70];
	_ =	sdelay $0x4  }
0x61: {  	v39 =	vshll.u32 v3, $0x1  }
0x62: {  	v3 =	vand.u32 $0x7, v3;
	v4 =	vand.u32 $0xFFFFFFF0, v39  }
0x63: {  	v3 =	vor.u32 v3, v4  }
0x64: {  	v4 =	vperm.xlane v3, v0;
	_ =	sdelay $0x1  }
0x65: {  	v3 =	vperm.xlane v3, v2;
	v4 =	vadd.s32 v1, v4;
	_ =	sdelay $0x1  }
0x66: {  	v3 =	vadd.s32 v1, v3;
	_ =	sdelay $0x2  }
0x67: {  	[tilespmem:s1], [sflag:$0x1] =	stream.indirect_vreg.gather [hbm4b:s2+s3], $0x80, v4, vm0, $0xb8;
	[tilespmem:$0x10200] =	vst v63  }
0x68: {  	s0 =	simm.s32 $0x1  }
0x69: {  	[tilespmem:s4], [sflag:$0x1] =	stream.indirect_vreg.gather [hbm4b:s2+s3], $0x80, v3, vm0, $0xb8;
	[tilespmem:$0x10200] =	vst v63  }
0x6a: {  	_ =	swait.ge [sflag:s0], $0x8000  }
0x6b: {  	[sflag:s0] =	ssyncset.done $0x0  }
0x6c: {  	[sflag:s0] =	ssyncadd.s32 $0xFFFF8000  }
0x6d: {  	v3 =	vld [tilespmem:$0x80];
	_ =	sdelay $0x4  }
0x6e: {  	v40 =	vshll.u32 v3, $0x1  }
0x6f: {  	v3 =	vand.u32 $0x7, v3;
	v4 =	vand.u32 $0xFFFFFFF0, v40  }
0x70: {  	v3 =	vor.u32 v3, v4  }
0x71: {  	v4 =	vperm.xlane v3, v0;
	_ =	sdelay $0x1  }
0x72: {  	v3 =	vperm.xlane v3, v2;
	v4 =	vadd.s32 v1, v4;
	_ =	sdelay $0x1  }
0x73: {  	v3 =	vadd.s32 v1, v3;
	_ =	sdelay $0x2  }
0x74: {  	[tilespmem:s23], [sflag:$0x2] =	stream.indirect_vreg.gather [hbm4b:s2+s3], $0x80, v4, vm0, $0xb8;
	[tilespmem:$0x10200] =	vst v63  }
0x75: {  	_ = 	snop  }
0x76: {  	[tilespmem:s8], [sflag:$0x2] =	stream.indirect_vreg.gather [hbm4b:s2+s3], $0x80, v3, vm0, $0xb8;
	[tilespmem:$0x10200] =	vst v63  }
0x77: {  	v3 =	vld [tilespmem:$0x90];
	_ =	sdelay $0x4  }
0x78: {  	v41 =	vshll.u32 v3, $0x1  }
0x79: {  	v3 =	vand.u32 $0x7, v3;
	v4 =	vand.u32 $0xFFFFFFF0, v41  }
0x7a: {  	v3 =	vor.u32 v3, v4  }
0x7b: {  	v4 =	vperm.xlane v3, v0;
	_ =	sdelay $0x1  }
0x7c: {  	v3 =	vperm.xlane v3, v2;
	v4 =	vadd.s32 v1, v4;
	_ =	sdelay $0x1  }
0x7d: {  	v3 =	vadd.s32 v1, v3;
	_ =	sdelay $0x2  }
0x7e: {  	[tilespmem:s9], [sflag:$0x2] =	stream.indirect_vreg.gather [hbm4b:s2+s3], $0x80, v4, vm0, $0xb8;
	[tilespmem:$0x10200] =	vst v63  }
0x7f: {  	_ = 	snop  }
0x80: {  	[tilespmem:s10], [sflag:$0x2] =	stream.indirect_vreg.gather [hbm4b:s2+s3], $0x80, v3, vm0, $0xb8;
	[tilespmem:$0x10200] =	vst v63  }
0x81: {  	v3 =	vld [tilespmem:$0xA0];
	_ =	sdelay $0x4  }
0x82: {  	v42 =	vshll.u32 v3, $0x1  }
0x83: {  	v3 =	vand.u32 $0x7, v3;
	v4 =	vand.u32 $0xFFFFFFF0, v42  }
0x84: {  	v3 =	vor.u32 v3, v4  }
0x85: {  	v4 =	vperm.xlane v3, v0;
	_ =	sdelay $0x1  }
0x86: {  	v3 =	vperm.xlane v3, v2;
	v4 =	vadd.s32 v1, v4;
	_ =	sdelay $0x1  }
0x87: {  	v3 =	vadd.s32 v1, v3;
	_ =	sdelay $0x2  }
0x88: {  	[tilespmem:s11], [sflag:$0x2] =	stream.indirect_vreg.gather [hbm4b:s2+s3], $0x80, v4, vm0, $0xb8;
	[tilespmem:$0x10200] =	vst v63  }
0x89: {  	s12 =	simm.s32 $0xAA00  }
0x8a: {  	[tilespmem:s12], [sflag:$0x2] =	stream.indirect_vreg.gather [hbm4b:s2+s3], $0x80, v3, vm0, $0xb8;
	[tilespmem:$0x10200] =	vst v63  }
0x8b: {  	v3 =	vld [tilespmem:$0xB0];
	_ =	sdelay $0x4  }
0x8c: {  	v43 =	vshll.u32 v3, $0x1  }
0x8d: {  	v3 =	vand.u32 $0x7, v3;
	v4 =	vand.u32 $0xFFFFFFF0, v43  }
0x8e: {  	v3 =	vor.u32 v3, v4  }
0x8f: {  	v4 =	vperm.xlane v3, v0;
	_ =	sdelay $0x1  }
0x90: {  	v3 =	vperm.xlane v3, v2;
	v4 =	vadd.s32 v1, v4;
	_ =	sdelay $0x1  }
0x91: {  	v3 =	vadd.s32 v1, v3;
	_ =	sdelay $0x2  }
0x92: {  	[tilespmem:s13], [sflag:$0x2] =	stream.indirect_vreg.gather [hbm4b:s2+s3], $0x80, v4, vm0, $0xb8;
	[tilespmem:$0x10200] =	vst v63  }
0x93: {  	_ = 	snop  }
0x94: {  	[tilespmem:s14], [sflag:$0x2] =	stream.indirect_vreg.gather [hbm4b:s2+s3], $0x80, v3, vm0, $0xb8;
	[tilespmem:$0x10200] =	vst v63  }
0x95: {  	v3 =	vld [tilespmem:$0xC0];
	_ =	sdelay $0x4  }
0x96: {  	v44 =	vshll.u32 v3, $0x1  }
0x97: {  	v3 =	vand.u32 $0x7, v3;
	v4 =	vand.u32 $0xFFFFFFF0, v44  }
0x98: {  	v3 =	vor.u32 v3, v4  }
0x99: {  	v4 =	vperm.xlane v3, v0;
	_ =	sdelay $0x1  }
0x9a: {  	v3 =	vperm.xlane v3, v2;
	v4 =	vadd.s32 v1, v4;
	_ =	sdelay $0x1  }
0x9b: {  	v3 =	vadd.s32 v1, v3;
	_ =	sdelay $0x1  }
0x9c: {  	s12 =	simm.s32 $0xC200  }
0x9d: {  	[tilespmem:s12], [sflag:$0x2] =	stream.indirect_vreg.gather [hbm4b:s2+s3], $0x80, v4, vm0, $0xb8;
	[tilespmem:$0x10200] =	vst v63  }
0x9e: {  	_ = 	snop  }
0x9f: {  	[tilespmem:s24], [sflag:$0x2] =	stream.indirect_vreg.gather [hbm4b:s2+s3], $0x80, v3, vm0, $0xb8;
	[tilespmem:$0x10200] =	vst v63  }
0xa0: {  	v3 =	vld [tilespmem:$0xD0];
	_ =	sdelay $0x4  }
0xa1: {  	v45 =	vshll.u32 v3, $0x1  }
0xa2: {  	v3 =	vand.u32 $0x7, v3;
	v4 =	vand.u32 $0xFFFFFFF0, v45  }
0xa3: {  	v3 =	vor.u32 v3, v4  }
0xa4: {  	v4 =	vperm.xlane v3, v0;
	_ =	sdelay $0x1  }
0xa5: {  	v3 =	vperm.xlane v3, v2;
	v4 =	vadd.s32 v1, v4;
	_ =	sdelay $0x1  }
0xa6: {  	v3 =	vadd.s32 v1, v3;
	_ =	sdelay $0x1  }
0xa7: {  	s12 =	simm.s32 $0xD200  }
0xa8: {  	[tilespmem:s12], [sflag:$0x2] =	stream.indirect_vreg.gather [hbm4b:s2+s3], $0x80, v4, vm0, $0xb8;
	[tilespmem:$0x10200] =	vst v63  }
0xa9: {  	s12 =	simm.s32 $0xDA00  }
0xaa: {  	[tilespmem:s12], [sflag:$0x2] =	stream.indirect_vreg.gather [hbm4b:s2+s3], $0x80, v3, vm0, $0xb8;
	[tilespmem:$0x10200] =	vst v63  }
0xab: {  	v3 =	vld [tilespmem:$0xE0];
	_ =	sdelay $0x4  }
0xac: {  	v46 =	vshll.u32 v3, $0x1  }
0xad: {  	v3 =	vand.u32 $0x7, v3;
	v4 =	vand.u32 $0xFFFFFFF0, v46  }
0xae: {  	v3 =	vor.u32 v3, v4  }
0xaf: {  	v4 =	vperm.xlane v3, v0;
	_ =	sdelay $0x1  }
0xb0: {  	v3 =	vperm.xlane v3, v2;
	v4 =	vadd.s32 v1, v4;
	_ =	sdelay $0x1  }
0xb1: {  	v3 =	vadd.s32 v1, v3;
	_ =	sdelay $0x1  }
0xb2: {  	s12 =	simm.s32 $0xE200  }
0xb3: {  	[tilespmem:s12], [sflag:$0x2] =	stream.indirect_vreg.gather [hbm4b:s2+s3], $0x80, v4, vm0, $0xb8;
	[tilespmem:$0x10200] =	vst v63  }
0xb4: {  	s12 =	simm.s32 $0xEA00  }
0xb5: {  	[tilespmem:s12], [sflag:$0x2] =	stream.indirect_vreg.gather [hbm4b:s2+s3], $0x80, v3, vm0, $0xb8;
	[tilespmem:$0x10200] =	vst v63  }
0xb6: {  	v3 =	vld [tilespmem:$0xF0];
	_ =	sdelay $0x4  }
0xb7: {  	v47 =	vshll.u32 v3, $0x1  }
0xb8: {  	v3 =	vand.u32 $0x7, v3;
	v4 =	vand.u32 $0xFFFFFFF0, v47  }
0xb9: {  	v3 =	vor.u32 v3, v4  }
0xba: {  	v4 =	vperm.xlane v3, v0;
	_ =	sdelay $0x1  }
0xbb: {  	v3 =	vperm.xlane v3, v2;
	v4 =	vadd.s32 v1, v4;
	_ =	sdelay $0x1  }
0xbc: {  	v3 =	vadd.s32 v1, v3;
	_ =	sdelay $0x1  }
0xbd: {  	s12 =	simm.s32 $0xF200  }
0xbe: {  	[tilespmem:s12], [sflag:$0x2] =	stream.indirect_vreg.gather [hbm4b:s2+s3], $0x80, v4, vm0, $0xb8;
	[tilespmem:$0x10200] =	vst v63  }
0xbf: {  	s12 =	simm.s32 $0xFA00  }
0xc0: {  	[tilespmem:s12], [sflag:$0x2] =	stream.indirect_vreg.gather [hbm4b:s2+s3], $0x80, v3, vm0, $0xb8;
	[tilespmem:$0x10200] =	vst v63  }
0xc1: {  	s12 =	rddreg [dreg:$0x8]  }
0xc2: {  	[hbm4b:s12+s3] =	stream.linear.scatter [tilespmem:s15], [sflag:$0x3], $0x8000, $0x38;
	[tilespmem:$0x10200] =	vst v63  }
0xc3: {  	_ =	swait.ge [sflag:s6], $0x8000  }
0xc4: {  	[sflag:s6] =	ssyncset.done $0x0  }
0xc5: {  	[sflag:s6] =	ssyncadd.s32 $0xFFFF8000  }
0xc6: {  	_ =	swait.ge [sflag:s7], $0x8000  }
0xc7: {  	[sflag:s7] =	ssyncset.done $0x0  }
0xc8: {  	[sflag:s7] =	ssyncadd.s32 $0xFFFF8000  }
0xc9: {  	v3 =	vld [tilespmem:$0x100];
	_ =	sdelay $0x4  }
0xca: {  	v48 =	vshll.u32 v3, $0x1  }
0xcb: {  	v3 =	vand.u32 $0x7, v3;
	v4 =	vand.u32 $0xFFFFFFF0, v48  }
0xcc: {  	v3 =	vor.u32 v3, v4  }
0xcd: {  	v4 =	vperm.xlane v3, v0;
	_ =	sdelay $0x1  }
0xce: {  	v3 =	vperm.xlane v3, v2;
	v4 =	vadd.s32 v1, v4;
	_ =	sdelay $0x1  }
0xcf: {  	v3 =	vadd.s32 v1, v3;
	_ =	sdelay $0x2  }
0xd0: {  	[tilespmem:s15], [sflag:$0x1] =	stream.indirect_vreg.gather [hbm4b:s2+s3], $0x80, v4, vm0, $0xb8;
	[tilespmem:$0x10200] =	vst v63  }
0xd1: {  	_ = 	snop  }
0xd2: {  	[tilespmem:s16], [sflag:$0x1] =	stream.indirect_vreg.gather [hbm4b:s2+s3], $0x80, v3, vm0, $0xb8;
	[tilespmem:$0x10200] =	vst v63  }
0xd3: {  	v3 =	vld [tilespmem:$0x110];
	_ =	sdelay $0x4  }
0xd4: {  	v49 =	vshll.u32 v3, $0x1  }
0xd5: {  	v3 =	vand.u32 $0x7, v3;
	v4 =	vand.u32 $0xFFFFFFF0, v49  }
0xd6: {  	v3 =	vor.u32 v3, v4  }
0xd7: {  	v4 =	vperm.xlane v3, v0;
	_ =	sdelay $0x1  }
0xd8: {  	v3 =	vperm.xlane v3, v2;
	v4 =	vadd.s32 v1, v4;
	_ =	sdelay $0x1  }
0xd9: {  	v3 =	vadd.s32 v1, v3;
	_ =	sdelay $0x2  }
0xda: {  	[tilespmem:s17], [sflag:$0x1] =	stream.indirect_vreg.gather [hbm4b:s2+s3], $0x80, v4, vm0, $0xb8;
	[tilespmem:$0x10200] =	vst v63  }
0xdb: {  	_ = 	snop  }
0xdc: {  	[tilespmem:s18], [sflag:$0x1] =	stream.indirect_vreg.gather [hbm4b:s2+s3], $0x80, v3, vm0, $0xb8;
	[tilespmem:$0x10200] =	vst v63  }
0xdd: {  	v3 =	vld [tilespmem:$0x120];
	_ =	sdelay $0x4  }
0xde: {  	v50 =	vshll.u32 v3, $0x1  }
0xdf: {  	v3 =	vand.u32 $0x7, v3;
	v4 =	vand.u32 $0xFFFFFFF0, v50  }
0xe0: {  	v3 =	vor.u32 v3, v4  }
0xe1: {  	v4 =	vperm.xlane v3, v0;
	_ =	sdelay $0x1  }
0xe2: {  	v3 =	vperm.xlane v3, v2;
	v4 =	vadd.s32 v1, v4;
	_ =	sdelay $0x1  }
0xe3: {  	v3 =	vadd.s32 v1, v3;
	_ =	sdelay $0x2  }
0xe4: {  	[tilespmem:s19], [sflag:$0x1] =	stream.indirect_vreg.gather [hbm4b:s2+s3], $0x80, v4, vm0, $0xb8;
	[tilespmem:$0x10200] =	vst v63  }
0xe5: {  	_ = 	snop  }
0xe6: {  	[tilespmem:s20], [sflag:$0x1] =	stream.indirect_vreg.gather [hbm4b:s2+s3], $0x80, v3, vm0, $0xb8;
	[tilespmem:$0x10200] =	vst v63  }
0xe7: {  	v3 =	vld [tilespmem:$0x130];
	_ =	sdelay $0x4  }
0xe8: {  	v51 =	vshll.u32 v3, $0x1  }
0xe9: {  	v3 =	vand.u32 $0x7, v3;
	v4 =	vand.u32 $0xFFFFFFF0, v51  }
0xea: {  	v3 =	vor.u32 v3, v4  }
0xeb: {  	v4 =	vperm.xlane v3, v0;
	_ =	sdelay $0x1  }
0xec: {  	v3 =	vperm.xlane v3, v2;
	v4 =	vadd.s32 v1, v4;
	_ =	sdelay $0x1  }
0xed: {  	v3 =	vadd.s32 v1, v3;
	_ =	sdelay $0x2  }
0xee: {  	[tilespmem:s21], [sflag:$0x1] =	stream.indirect_vreg.gather [hbm4b:s2+s3], $0x80, v4, vm0, $0xb8;
	[tilespmem:$0x10200] =	vst v63  }
0xef: {  	_ = 	snop  }
0xf0: {  	[tilespmem:s22], [sflag:$0x1] =	stream.indirect_vreg.gather [hbm4b:s2+s3], $0x80, v3, vm0, $0xb8;
	[tilespmem:$0x10200] =	vst v63  }
0xf1: {  	v3 =	vld [tilespmem:$0x140];
	_ =	sdelay $0x4  }
0xf2: {  	v52 =	vshll.u32 v3, $0x1  }
0xf3: {  	v3 =	vand.u32 $0x7, v3;
	v4 =	vand.u32 $0xFFFFFFF0, v52  }
0xf4: {  	v3 =	vor.u32 v3, v4  }
0xf5: {  	v4 =	vperm.xlane v3, v0;
	_ =	sdelay $0x1  }
0xf6: {  	v3 =	vperm.xlane v3, v2;
	v4 =	vadd.s32 v1, v4;
	_ =	sdelay $0x1  }
0xf7: {  	v3 =	vadd.s32 v1, v3;
	_ =	sdelay $0x2  }
0xf8: {  	[tilespmem:s25], [sflag:$0x1] =	stream.indirect_vreg.gather [hbm4b:s2+s3], $0x80, v4, vm0, $0xb8;
	[tilespmem:$0x10200] =	vst v63  }
0xf9: {  	_ = 	snop  }
0xfa: {  	[tilespmem:s26], [sflag:$0x1] =	stream.indirect_vreg.gather [hbm4b:s2+s3], $0x80, v3, vm0, $0xb8;
	[tilespmem:$0x10200] =	vst v63  }
0xfb: {  	v3 =	vld [tilespmem:$0x150];
	_ =	sdelay $0x4  }
0xfc: {  	v53 =	vshll.u32 v3, $0x1  }
0xfd: {  	v3 =	vand.u32 $0x7, v3;
	v4 =	vand.u32 $0xFFFFFFF0, v53  }
0xfe: {  	v3 =	vor.u32 v3, v4  }
0xff: {  	v4 =	vperm.xlane v3, v0;
	_ =	sdelay $0x1  }
0x100: {  	v3 =	vperm.xlane v3, v2;
	v4 =	vadd.s32 v1, v4;
	_ =	sdelay $0x1  }
0x101: {  	v3 =	vadd.s32 v1, v3;
	_ =	sdelay $0x2  }
0x102: {  	[tilespmem:s28], [sflag:$0x1] =	stream.indirect_vreg.gather [hbm4b:s2+s3], $0x80, v4, vm0, $0xb8;
	[tilespmem:$0x10200] =	vst v63  }
0x103: {  	_ = 	snop  }
0x104: {  	[tilespmem:s29], [sflag:$0x1] =	stream.indirect_vreg.gather [hbm4b:s2+s3], $0x80, v3, vm0, $0xb8;
	[tilespmem:$0x10200] =	vst v63  }
0x105: {  	v3 =	vld [tilespmem:$0x160];
	_ =	sdelay $0x4  }
0x106: {  	v54 =	vshll.u32 v3, $0x1  }
0x107: {  	v3 =	vand.u32 $0x7, v3;
	v4 =	vand.u32 $0xFFFFFFF0, v54  }
0x108: {  	v3 =	vor.u32 v3, v4  }
0x109: {  	v4 =	vperm.xlane v3, v0;
	_ =	sdelay $0x1  }
0x10a: {  	v3 =	vperm.xlane v3, v2;
	v4 =	vadd.s32 v1, v4;
	_ =	sdelay $0x1  }
0x10b: {  	v3 =	vadd.s32 v1, v3;
	_ =	sdelay $0x2  }
0x10c: {  	[tilespmem:s30], [sflag:$0x1] =	stream.indirect_vreg.gather [hbm4b:s2+s3], $0x80, v4, vm0, $0xb8;
	[tilespmem:$0x10200] =	vst v63  }
0x10d: {  	_ = 	snop  }
0x10e: {  	[tilespmem:s31], [sflag:$0x1] =	stream.indirect_vreg.gather [hbm4b:s2+s3], $0x80, v3, vm0, $0xb8;
	[tilespmem:$0x10200] =	vst v63  }
0x10f: {  	v3 =	vld [tilespmem:$0x170];
	_ =	sdelay $0x4  }
0x110: {  	v55 =	vshll.u32 v3, $0x1  }
0x111: {  	v3 =	vand.u32 $0x7, v3;
	v4 =	vand.u32 $0xFFFFFFF0, v55  }
0x112: {  	v3 =	vor.u32 v3, v4  }
0x113: {  	v4 =	vperm.xlane v3, v0;
	_ =	sdelay $0x1  }
0x114: {  	v3 =	vperm.xlane v3, v2;
	v4 =	vadd.s32 v1, v4;
	_ =	sdelay $0x1  }
0x115: {  	v3 =	vadd.s32 v1, v3;
	_ =	sdelay $0x2  }
0x116: {  	[tilespmem:s1], [sflag:$0x1] =	stream.indirect_vreg.gather [hbm4b:s2+s3], $0x80, v4, vm0, $0xb8;
	[tilespmem:$0x10200] =	vst v63  }
0x117: {  	_ = 	snop  }
0x118: {  	[tilespmem:s4], [sflag:$0x1] =	stream.indirect_vreg.gather [hbm4b:s2+s3], $0x80, v3, vm0, $0xb8;
	[tilespmem:$0x10200] =	vst v63  }
0x119: {  	s16 =	rddreg [dreg:$0x5]  }
0x11a: {  	[hbm4b:s16+s3] =	stream.linear.scatter [tilespmem:s23], [sflag:$0x3], $0x8000, $0x38;
	[tilespmem:$0x10200] =	vst v63  }
0x11b: {  	_ =	swait.ge [sflag:s6], $0x8000  }
0x11c: {  	[sflag:s6] =	ssyncset.done $0x0  }
0x11d: {  	[sflag:s6] =	ssyncadd.s32 $0xFFFF8000  }
0x11e: {  	_ =	swait.ge [sflag:s0], $0x8000  }
0x11f: {  	[sflag:s0] =	ssyncset.done $0x0  }
0x120: {  	[sflag:s0] =	ssyncadd.s32 $0xFFFF8000  }
0x121: {  	v3 =	vld [tilespmem:$0x180];
	_ =	sdelay $0x4  }
0x122: {  	v56 =	vshll.u32 v3, $0x1  }
0x123: {  	v3 =	vand.u32 $0x7, v3;
	v4 =	vand.u32 $0xFFFFFFF0, v56  }
0x124: {  	v3 =	vor.u32 v3, v4  }
0x125: {  	v4 =	vperm.xlane v3, v0;
	_ =	sdelay $0x1  }
0x126: {  	v3 =	vperm.xlane v3, v2;
	v4 =	vadd.s32 v1, v4;
	_ =	sdelay $0x1  }
0x127: {  	v3 =	vadd.s32 v1, v3;
	_ =	sdelay $0x2  }
0x128: {  	[tilespmem:s23], [sflag:$0x2] =	stream.indirect_vreg.gather [hbm4b:s2+s3], $0x80, v4, vm0, $0xb8;
	[tilespmem:$0x10200] =	vst v63  }
0x129: {  	_ = 	snop  }
0x12a: {  	[tilespmem:s8], [sflag:$0x2] =	stream.indirect_vreg.gather [hbm4b:s2+s3], $0x80, v3, vm0, $0xb8;
	[tilespmem:$0x10200] =	vst v63  }
0x12b: {  	v3 =	vld [tilespmem:$0x190];
	_ =	sdelay $0x4  }
0x12c: {  	v57 =	vshll.u32 v3, $0x1  }
0x12d: {  	v3 =	vand.u32 $0x7, v3;
	v4 =	vand.u32 $0xFFFFFFF0, v57  }
0x12e: {  	v3 =	vor.u32 v3, v4  }
0x12f: {  	v4 =	vperm.xlane v3, v0;
	_ =	sdelay $0x1  }
0x130: {  	v3 =	vperm.xlane v3, v2;
	v4 =	vadd.s32 v1, v4;
	_ =	sdelay $0x1  }
0x131: {  	v3 =	vadd.s32 v1, v3;
	_ =	sdelay $0x2  }
0x132: {  	[tilespmem:s9], [sflag:$0x2] =	stream.indirect_vreg.gather [hbm4b:s2+s3], $0x80, v4, vm0, $0xb8;
	[tilespmem:$0x10200] =	vst v63  }
0x133: {  	_ = 	snop  }
0x134: {  	[tilespmem:s10], [sflag:$0x2] =	stream.indirect_vreg.gather [hbm4b:s2+s3], $0x80, v3, vm0, $0xb8;
	[tilespmem:$0x10200] =	vst v63  }
0x135: {  	v3 =	vld [tilespmem:$0x1A0];
	_ =	sdelay $0x4  }
0x136: {  	v58 =	vshll.u32 v3, $0x1  }
0x137: {  	v3 =	vand.u32 $0x7, v3;
	v4 =	vand.u32 $0xFFFFFFF0, v58  }
0x138: {  	v3 =	vor.u32 v3, v4  }
0x139: {  	v4 =	vperm.xlane v3, v0;
	_ =	sdelay $0x1  }
0x13a: {  	v3 =	vperm.xlane v3, v2;
	v4 =	vadd.s32 v1, v4;
	_ =	sdelay $0x1  }
0x13b: {  	v3 =	vadd.s32 v1, v3;
	_ =	sdelay $0x2  }
0x13c: {  	[tilespmem:s11], [sflag:$0x2] =	stream.indirect_vreg.gather [hbm4b:s2+s3], $0x80, v4, vm0, $0xb8;
	[tilespmem:$0x10200] =	vst v63  }
0x13d: {  	s16 =	simm.s32 $0xAA00  }
0x13e: {  	[tilespmem:s16], [sflag:$0x2] =	stream.indirect_vreg.gather [hbm4b:s2+s3], $0x80, v3, vm0, $0xb8;
	[tilespmem:$0x10200] =	vst v63  }
0x13f: {  	v3 =	vld [tilespmem:$0x1B0];
	_ =	sdelay $0x4  }
0x140: {  	v59 =	vshll.u32 v3, $0x1  }
0x141: {  	v3 =	vand.u32 $0x7, v3;
	v4 =	vand.u32 $0xFFFFFFF0, v59  }
0x142: {  	v3 =	vor.u32 v3, v4  }
0x143: {  	v4 =	vperm.xlane v3, v0;
	_ =	sdelay $0x1  }
0x144: {  	v3 =	vperm.xlane v3, v2;
	v4 =	vadd.s32 v1, v4;
	_ =	sdelay $0x1  }
0x145: {  	v3 =	vadd.s32 v1, v3;
	_ =	sdelay $0x2  }
0x146: {  	[tilespmem:s13], [sflag:$0x2] =	stream.indirect_vreg.gather [hbm4b:s2+s3], $0x80, v4, vm0, $0xb8;
	[tilespmem:$0x10200] =	vst v63  }
0x147: {  	_ = 	snop  }
0x148: {  	[tilespmem:s14], [sflag:$0x2] =	stream.indirect_vreg.gather [hbm4b:s2+s3], $0x80, v3, vm0, $0xb8;
	[tilespmem:$0x10200] =	vst v63  }
0x149: {  	v3 =	vld [tilespmem:$0x1C0];
	_ =	sdelay $0x4  }
0x14a: {  	v60 =	vshll.u32 v3, $0x1  }
0x14b: {  	v3 =	vand.u32 $0x7, v3;
	v4 =	vand.u32 $0xFFFFFFF0, v60  }
0x14c: {  	v3 =	vor.u32 v3, v4  }
0x14d: {  	v4 =	vperm.xlane v3, v0;
	_ =	sdelay $0x1  }
0x14e: {  	v3 =	vperm.xlane v3, v2;
	v4 =	vadd.s32 v1, v4;
	_ =	sdelay $0x1  }
0x14f: {  	v3 =	vadd.s32 v1, v3;
	_ =	sdelay $0x1  }
0x150: {  	s16 =	simm.s32 $0xC200  }
0x151: {  	[tilespmem:s16], [sflag:$0x2] =	stream.indirect_vreg.gather [hbm4b:s2+s3], $0x80, v4, vm0, $0xb8;
	[tilespmem:$0x10200] =	vst v63  }
0x152: {  	_ = 	snop  }
0x153: {  	[tilespmem:s24], [sflag:$0x2] =	stream.indirect_vreg.gather [hbm4b:s2+s3], $0x80, v3, vm0, $0xb8;
	[tilespmem:$0x10200] =	vst v63  }
0x154: {  	v3 =	vld [tilespmem:$0x1D0];
	_ =	sdelay $0x4  }
0x155: {  	v61 =	vshll.u32 v3, $0x1  }
0x156: {  	v3 =	vand.u32 $0x7, v3;
	v4 =	vand.u32 $0xFFFFFFF0, v61  }
0x157: {  	v3 =	vor.u32 v3, v4  }
0x158: {  	v4 =	vperm.xlane v3, v0;
	_ =	sdelay $0x1  }
0x159: {  	v3 =	vperm.xlane v3, v2;
	v4 =	vadd.s32 v1, v4;
	_ =	sdelay $0x1  }
0x15a: {  	v3 =	vadd.s32 v1, v3;
	_ =	sdelay $0x1  }
0x15b: {  	s16 =	simm.s32 $0xD200  }
0x15c: {  	[tilespmem:s16], [sflag:$0x2] =	stream.indirect_vreg.gather [hbm4b:s2+s3], $0x80, v4, vm0, $0xb8;
	[tilespmem:$0x10200] =	vst v63  }
0x15d: {  	s16 =	simm.s32 $0xDA00  }
0x15e: {  	[tilespmem:s16], [sflag:$0x2] =	stream.indirect_vreg.gather [hbm4b:s2+s3], $0x80, v3, vm0, $0xb8;
	[tilespmem:$0x10200] =	vst v63  }
0x15f: {  	v3 =	vld [tilespmem:$0x1E0];
	_ =	sdelay $0x4  }
0x160: {  	v62 =	vshll.u32 v3, $0x1  }
0x161: {  	v3 =	vand.u32 $0x7, v3;
	v4 =	vand.u32 $0xFFFFFFF0, v62  }
0x162: {  	v3 =	vor.u32 v3, v4  }
0x163: {  	v4 =	vperm.xlane v3, v0;
	_ =	sdelay $0x1  }
0x164: {  	v3 =	vperm.xlane v3, v2;
	v4 =	vadd.s32 v1, v4;
	_ =	sdelay $0x1  }
0x165: {  	v3 =	vadd.s32 v1, v3;
	_ =	sdelay $0x1  }
0x166: {  	s16 =	simm.s32 $0xE200  }
0x167: {  	[tilespmem:s16], [sflag:$0x2] =	stream.indirect_vreg.gather [hbm4b:s2+s3], $0x80, v4, vm0, $0xb8;
	[tilespmem:$0x10200] =	vst v63  }
0x168: {  	s16 =	simm.s32 $0xEA00  }
0x169: {  	[tilespmem:s16], [sflag:$0x2] =	stream.indirect_vreg.gather [hbm4b:s2+s3], $0x80, v3, vm0, $0xb8;
	[tilespmem:$0x10200] =	vst v63  }
0x16a: {  	v3 =	vld [tilespmem:$0x1F0];
	_ =	sdelay $0x4  }
0x16b: {  	v63 =	vshll.u32 v3, $0x1  }
0x16c: {  	v3 =	vand.u32 $0x7, v3;
	v4 =	vand.u32 $0xFFFFFFF0, v63  }
0x16d: {  	v3 =	vor.u32 v3, v4  }
0x16e: {  	v4 =	vperm.xlane v3, v0;
	_ =	sdelay $0x1  }
0x16f: {  	v3 =	vperm.xlane v3, v2;
	v4 =	vadd.s32 v1, v4;
	_ =	sdelay $0x1  }
0x170: {  	v3 =	vadd.s32 v1, v3;
	_ =	sdelay $0x1  }
0x171: {  	s16 =	simm.s32 $0xF200  }
0x172: {  	[tilespmem:s16], [sflag:$0x2] =	stream.indirect_vreg.gather [hbm4b:s2+s3], $0x80, v4, vm0, $0xb8;
	[tilespmem:$0x10200] =	vst v63  }
0x173: {  	s0 =	simm.s32 $0xFA00  }
0x174: {  	[tilespmem:s0], [sflag:$0x2] =	stream.indirect_vreg.gather [hbm4b:s2+s3], $0x80, v3, vm0, $0xb8;
	[tilespmem:$0x10200] =	vst v63  }
0x175: {  	s12 =	simm.s32 $0x200;
	s16 =	rddreg [dreg:$0x6]  }
0x176: {  	[hbm4b:s16+s3] =	stream.linear.scatter [tilespmem:s12], [sflag:$0x3], $0x8000, $0x38;
	[tilespmem:$0x10200] =	vst v63  }
0x177: {  	_ =	swait.ge [sflag:s6], $0x8000  }
0x178: {  	[sflag:s6] =	ssyncset.done $0x0  }
0x179: {  	[sflag:s6] =	ssyncadd.s32 $0xFFFF8000  }
0x17a: {  	_ =	swait.ge [sflag:s7], $0x8000  }
0x17b: {  	p0 =	sne.s32 s5, $0x1;
	[sflag:s7] =	ssyncset.done $0x0  }
.Ltmp0:
0x17c: {  	s12 =	rddreg [dreg:$0x7];
	[sflag:s7] =	ssyncadd.s32 $0xFFFF8000;
	(pc) =	sbr.rel @p0 .LBB2_1-.Ltmp0, $4  }
0x17d: {  	[hbm4b:s12+s3] =	stream.linear.scatter [tilespmem:s23], [sflag:$0x3], $0x8000, $0x38;
	[tilespmem:$0x10200] =	vst v63  }
0x17e: {  	_ =	swait.ge [sflag:s6], $0x8000  }
0x17f: {  	[sflag:s6] =	ssyncset.done $0x0  }
0x180: {  	s5 =	sadd.s32 $0xFFFFFFFF, s5;
	[sflag:s6] =	ssyncadd.s32 $0xFFFF8000  }
0x181: {  	_ =	sfence.sel $0x180000  }
0x182: {  	[bflag:$0x0] =	sbarrier.arrive $0xFFFF  }
0x183: {  	_ =	strace $0x90000047  }
0x184: {  	s0 =	stileid.u32;
	[bflag:$0x2] =	sbarrier.arrive $0xFFFF  }
0x185: {  	p0 =	sne.s32 s0, $0x0;
	s0 =	rddreg [dreg:$0x3]  }
0x186: {  	s0 =	sadd.s32 @!p0 $0x100000, s0  }
0x187: {  	[sflag:s0] =	ssyncadd.tile.s32 @!p0 $0x1;
	_ =	shalt  }
.Lfunc_end2:
_tile_overlayer_lowered:
.L_overlay_start_2:
0x188: {  	(tag) =	ssettag $0x2  }
0x189: {  	s0 =	rddreg [dreg:$0x0];
	s2 =	stileid.u32  }
0x18a: {  	s1 =	rddreg [dreg:$0x1];
	p0 =	sne.s32 s2, $0x0  }
0x18b: {  	s3 =	rddreg [dreg:$0x2];
	[bflag:$0x3] =	sbarrier.arrive $0xFFFF;
	s2 =	simm.s32 @!p0 $0x1C03  }
0x18c: {  	[timem:s3], [sflag:s2] =	dma.local @!p0 [hbm:s0], s1  }
0x18d: {  	s0 =	simm.s32 @!p0 $0x3  }
0x18e: {  	_ =	swait.ge @!p0 [sflag:s0], s1  }
0x18f: {  	s1 =	ssub.s32 @!p0 $0x0, s1;
	[sflag:s0] =	ssyncset.done @!p0 $0x0  }
0x190: {  	[sflag:s0] =	ssyncadd.s32 @!p0 s1  }
0x191: {  	[bflag:$0x3] =	sbarrier.arrive $0xFFFF  }
0x192: {  	_ =	shalt  }

</sc_bundles>
